<compile_context>
chip_gen: v7x
topology: tpu7x:2x2x1
jax: 0.10.2.dev20260603
libtpu: 0.0.44.dev20260713+nightly
codegen_flags: <defaults>
</compile_context>

<pallas_src>
import functools

import jax
import jax.numpy as jnp
from jax import lax
from jax.experimental import pallas as pl
from jax.experimental.pallas import tpu as pltpu
from jax.experimental.pallas import tpu_sc as plsc

_N_E = 8192
_E_DIM = 32
_BETA = 0.25
_HW = 1024
_CB_CHUNK = 2048
_SLICE = 128
_CG = 256


def _argmin_body(z_ref, cb_ref, idx_ref, loss_ref):
    zb = z_ref[0].reshape(_E_DIM, _HW)
    znorm = jnp.sum(zb * zb, axis=0, keepdims=True)
    zm2 = zb * (-2.0)
    cn_full = jnp.sum(cb_ref[...] * cb_ref[...], axis=1,
                      keepdims=True)

    part = jnp.float32(0.0)
    for g in range(_HW // _CG):
        zg = zm2[:, g * _CG:(g + 1) * _CG]
        zn = znorm[:, g * _CG:(g + 1) * _CG]
        mv = jnp.full((_SLICE, _CG), jnp.inf, dtype=jnp.float32)
        mbl = jnp.zeros((_SLICE, _CG), dtype=jnp.int32)
        for c in range(_N_E // _CB_CHUNK):
            cb = cb_ref[pl.ds(c * _CB_CHUNK, _CB_CHUNK), :]
            cn = cn_full[c * _CB_CHUNK:(c + 1) * _CB_CHUNK, :]
            dot = lax.dot_general(cb, zg, (((1,), (0,)), ((), ())),
                                  preferred_element_type=jnp.float32)
            s = (zn + cn) + dot
            for b in range(_CB_CHUNK // _SLICE):
                sb = s[b * _SLICE:(b + 1) * _SLICE, :]
                blk = c * (_CB_CHUNK // _SLICE) + b
                upd = sb < mv
                mv = jnp.minimum(sb, mv)
                mbl = jnp.where(upd, blk, mbl)

        jfull = mbl * _SLICE + lax.broadcasted_iota(
            jnp.int32, (_SLICE, _CG), 0)
        m = jnp.min(mv, axis=0, keepdims=True)
        mi = jnp.min(jnp.where(mv == m, jfull, _N_E), axis=0, keepdims=True)
        idx_ref[0, 0, pl.ds(g * _CG, _CG)] = mi[0]
        part += jnp.sum(m)
    i = pl.program_id(0)

    @pl.when(i == 0)
    def _():
        loss_ref[0, 0] = part

    @pl.when(i > 0)
    def _():
        loss_ref[0, 0] += part

    @pl.when(i == pl.num_programs(0) - 1)
    def _():
        loss_ref[0, 0] *= (1.0 + _BETA) / (4 * _HW * _E_DIM)


def _tc_argmin(z3, codebook):
    nb = z3.shape[0]
    return pl.pallas_call(
        _argmin_body,
        grid=(nb,),
        in_specs=[
            pl.BlockSpec((1, _E_DIM, 32, 32), lambda i: (i, 0, 0, 0)),
            pl.BlockSpec((_N_E, _E_DIM), lambda i: (0, 0)),
        ],
        out_specs=[
            pl.BlockSpec((1, 1, _HW), lambda i: (i, 0, 0)),
            pl.BlockSpec(memory_space=pltpu.SMEM),
        ],
        out_shape=[
            jax.ShapeDtypeStruct((nb, 1, _HW), jnp.int32),
            jax.ShapeDtypeStruct((1, 1), jnp.float32),
        ],
    )(z3, codebook)


def _sc_gather(codebook, idx):
    b = idx.shape[0]
    info = plsc.get_sparse_core_info()
    nw = info.num_cores * info.num_subcores
    bpw = b // nw
    mesh = plsc.VectorSubcoreMesh(core_axis_name="c", subcore_axis_name="s")

    @functools.partial(
        pl.kernel,
        out_type=jax.ShapeDtypeStruct((b, _E_DIM), jnp.float32),
        mesh=mesh,
        scratch_types=[
            pltpu.VMEM((bpw,), jnp.int32),
            pltpu.VMEM((bpw, _E_DIM), jnp.float32),
            pltpu.SemaphoreType.DMA,
        ],
        compiler_params=pltpu.CompilerParams(use_tc_tiling_on_sc=False),
    )
    def gather_k(table_hbm, idx_hbm, out_hbm, idx_v, rows_v, sem):
        wid = lax.axis_index("s") * info.num_cores + lax.axis_index("c")
        base = wid * bpw
        pltpu.sync_copy(idx_hbm.at[pl.ds(base, bpw)], idx_v)
        pltpu.async_copy(table_hbm.at[idx_v], rows_v, sem).wait()
        pltpu.sync_copy(rows_v, out_hbm.at[pl.ds(base, bpw)])

    return gather_k(codebook, idx)


def kernel(z, codebook):
    b, c, h, w = z.shape

    idx3d, loss2d = _tc_argmin(z, codebook)
    idx = idx3d.reshape(-1)

    z_q = _sc_gather(codebook, idx)

    loss = loss2d.reshape(())
    z_q_out = jnp.transpose(z_q.reshape(b, h, w, c), (0, 3, 1, 2))
    indices_out = idx3d.reshape(b, 1, h, w)
    return z_q_out, loss, indices_out

# --- scband reference (transcript-rebuilt; emitter-appended) ---
"""Pipeline reference for scband-vector-quantizer-weight-codebook-16329465659950 (READ-ONLY COPY).

The authoritative reference and input builder live on the scoring server;
editing this copy changes nothing except your own understanding.
"""

import jax, jax.numpy as jnp
import numpy as np

N_E = 8192
E_DIM = 32
BETA = 0.25

def setup_inputs(seed: int = 0) -> dict:
    key = jax.random.key(seed)
    k1, k2 = jax.random.split(key)
    z = jax.random.normal(k1, (4, 32, 32, 32), dtype=jnp.float32)
    # learned parameter: embedding table (codebook), nn.Embedding default init ~ N(0,1)
    codebook = jax.random.normal(k2, (N_E, E_DIM), dtype=jnp.float32)
    return {"z": z, "codebook": codebook}

def reference(z, codebook):
    # z: (B, C, H, W) -> (B, H, W, C)
    b, c, h, w = z.shape
    zp = jnp.transpose(z, (0, 2, 3, 1))
    z_flat = zp.reshape(-1, E_DIM)
    # dist: ||x||^2 + ||y||^2 - 2 x y^T  (x.shape != y.shape branch)
    d = (jnp.sum(z_flat ** 2, axis=1, keepdims=True)
         + jnp.sum(codebook ** 2, axis=1)
         - 2.0 * jnp.matmul(z_flat, codebook.T))
    # use_weight=False, LQ_stage=False, weight_codebook disabled -> no reweighting
    min_encoding_indices = jnp.argmin(d, axis=1)
    n = z_flat.shape[0]
    # one-hot via scatter-overwrite, matching torch scatter_
    min_encodings = jnp.zeros((n, codebook.shape[0]), dtype=zp.dtype)
    min_encodings = min_encodings.at[jnp.arange(n), min_encoding_indices].set(1.0)
    z_q = jnp.matmul(min_encodings, codebook).reshape(zp.shape)
    e_latent_loss = jnp.mean((jax.lax.stop_gradient(z_q) - zp) ** 2)
    q_latent_loss = jnp.mean((z_q - jax.lax.stop_gradient(zp)) ** 2)
    codebook_loss = q_latent_loss + e_latent_loss * BETA
    # straight-through estimator
    z_q_st = zp + jax.lax.stop_gradient(z_q - zp)
    z_q_out = jnp.transpose(z_q_st, (0, 3, 1, 2))
    indices_out = min_encoding_indices.reshape(b, 1, h, w)
    return z_q_out, codebook_loss, indices_out

if __name__ == "__main__":
    import jax
    _d = setup_inputs()
    print(jax.jit(kernel)(*tuple(_d.values())))

</pallas_src>

<mosaic_0001>
#map = affine_map<(d0, d1) -> (0, 0)>
#map1 = affine_map<(d0, d1) -> (0)>
module attributes {stable_mosaic.version = 14 : i64} {
  func.func @gather_k(%arg0: i32, %arg1: i32, %arg2: memref<8192x32xf32, #tpu.memory_space<hbm>>, %arg3: memref<4096xi32, #tpu.memory_space<hbm>>, %arg4: memref<4096x32xf32, #tpu.memory_space<hbm>>, %arg5: memref<128xi32, #tpu.memory_space<vmem>>, %arg6: memref<128x32xf32, #tpu.memory_space<vmem>>, %arg7: memref<!tpu.dma_semaphore, #tpu.memory_space<semaphore_mem>>) attributes {dimension_semantics = [#tpu.dimension_semantics<core_parallel>, #tpu.dimension_semantics<subcore_parallel>], iteration_bounds = array<i64: 2, 16>, scalar_prefetch = 0 : i64, scratch_operands = 3 : i64, tpu.core_type = #tpu.core_type<sc_vector_subcore>, window_params = [{transform_indices = #map}, {transform_indices = #map1}, {transform_indices = #map}]} {
    %mul3A = arith.constant 2 : i32
    %mul3A_0 = arith.muli %arg1, %mul3A : i32
    %add3A = arith.addi %mul3A_0, %arg0 : i32
    %mul3A_1 = arith.constant 128 : i32
    %mul3A_2 = arith.muli %add3A, %mul3A_1 : i32
    "tpu.region"() ({
      %run_scoped3A = tpu.sem_alloc : memref<!tpu.dma_semaphore, #tpu.memory_space<semaphore_mem>>
      %dma_start3A_7 = tpu.memref_slice %arg3[%mul3A_2] : memref<4096xi32, #tpu.memory_space<hbm>> -> memref<128xi32, #tpu.memory_space<hbm>>
      %dma_start3A_8 = tpu.memref_slice %arg3[%mul3A_2] : memref<4096xi32, #tpu.memory_space<hbm>> -> memref<128xi32, #tpu.memory_space<hbm>>
      tpu.enqueue_dma source(%dma_start3A_8 : memref<128xi32, #tpu.memory_space<hbm>>) target(%arg5 : memref<128xi32, #tpu.memory_space<vmem>>) target_semaphore(%run_scoped3A : memref<!tpu.dma_semaphore, #tpu.memory_space<semaphore_mem>>)
      %dma_wait3A_9 = tpu.memref_slice %arg3[%mul3A_2] : memref<4096xi32, #tpu.memory_space<hbm>> -> memref<128xi32, #tpu.memory_space<hbm>>
      %dma_wait3A_10 = tpu.memref_slice %arg3[%mul3A_2] : memref<4096xi32, #tpu.memory_space<hbm>> -> memref<128xi32, #tpu.memory_space<hbm>>
      tpu.wait_dma2 semaphore(%run_scoped3A : memref<!tpu.dma_semaphore, #tpu.memory_space<semaphore_mem>>) src(%dma_wait3A_10 : memref<128xi32, #tpu.memory_space<hbm>>) dst(%arg5 : memref<128xi32, #tpu.memory_space<vmem>>)
      tpu.yield
    }) : () -> ()
    %dma_start3A = arith.constant 0 : i32
    %dma_start3A_3 = arith.constant 0 : i32
    %dma_start3A_4 = tpu.memref_slice %arg2[%dma_start3A, %dma_start3A_3] : memref<8192x32xf32, #tpu.memory_space<hbm>> -> memref<8192x32xf32, #tpu.memory_space<hbm>>
    tpu.enqueue_indirect_dma source(%dma_start3A_4 : memref<8192x32xf32, #tpu.memory_space<hbm>>) target(%arg6 : memref<128x32xf32, #tpu.memory_space<vmem>>) offsets(%arg5 : memref<128xi32, #tpu.memory_space<vmem>>) semaphore(%arg7 : memref<!tpu.dma_semaphore, #tpu.memory_space<semaphore_mem>>)
    %dma_wait3A = arith.constant 0 : i32
    %dma_wait3A_5 = arith.constant 0 : i32
    %dma_wait3A_6 = tpu.memref_slice %arg2[%dma_wait3A, %dma_wait3A_5] : memref<8192x32xf32, #tpu.memory_space<hbm>> -> memref<8192x32xf32, #tpu.memory_space<hbm>>
    tpu.wait_indirect_dma semaphore(%arg7 : memref<!tpu.dma_semaphore, #tpu.memory_space<semaphore_mem>>) src(%dma_wait3A_6 : memref<8192x32xf32, #tpu.memory_space<hbm>>) dst(%arg6 : memref<128x32xf32, #tpu.memory_space<vmem>>)
    "tpu.region"() ({
      %run_scoped3A = tpu.sem_alloc : memref<!tpu.dma_semaphore, #tpu.memory_space<semaphore_mem>>
      %dma_start3A_7 = arith.constant 0 : i32
      %dma_start3A_8 = tpu.memref_slice %arg4[%mul3A_2, %dma_start3A_7] : memref<4096x32xf32, #tpu.memory_space<hbm>> -> memref<128x32xf32, #tpu.memory_space<hbm>>
      %dma_start3A_9 = arith.constant 0 : i32
      %dma_start3A_10 = tpu.memref_slice %arg4[%mul3A_2, %dma_start3A_9] : memref<4096x32xf32, #tpu.memory_space<hbm>> -> memref<128x32xf32, #tpu.memory_space<hbm>>
      tpu.enqueue_dma source(%arg6 : memref<128x32xf32, #tpu.memory_space<vmem>>) target(%dma_start3A_10 : memref<128x32xf32, #tpu.memory_space<hbm>>) target_semaphore(%run_scoped3A : memref<!tpu.dma_semaphore, #tpu.memory_space<semaphore_mem>>)
      %dma_wait3A_11 = arith.constant 0 : i32
      %dma_wait3A_12 = tpu.memref_slice %arg4[%mul3A_2, %dma_wait3A_11] : memref<4096x32xf32, #tpu.memory_space<hbm>> -> memref<128x32xf32, #tpu.memory_space<hbm>>
      %dma_wait3A_13 = arith.constant 0 : i32
      %dma_wait3A_14 = tpu.memref_slice %arg4[%mul3A_2, %dma_wait3A_13] : memref<4096x32xf32, #tpu.memory_space<hbm>> -> memref<128x32xf32, #tpu.memory_space<hbm>>
      tpu.wait_dma2 semaphore(%run_scoped3A : memref<!tpu.dma_semaphore, #tpu.memory_space<semaphore_mem>>) src(%arg6 : memref<128x32xf32, #tpu.memory_space<vmem>>) dst(%dma_wait3A_14 : memref<128x32xf32, #tpu.memory_space<hbm>>)
      tpu.yield
    }) : () -> ()
    return
  }
}

module attributes {stable_mosaic.version = 14 : i64} {
  func.func @_argmin_body(%arg0: i32, %arg1: memref<1x32x32x32xf32, #tpu.memory_space<vmem>>, %arg2: memref<8192x32xf32, #tpu.memory_space<vmem>>, %arg3: memref<1x1x1024xi32, #tpu.memory_space<vmem>>, %arg4: memref<1x1xf32, #tpu.memory_space<smem>>) attributes {dimension_semantics = [#tpu.dimension_semantics<arbitrary>], iteration_bounds = array<i64: 4>, scalar_prefetch = 0 : i64, scratch_operands = 0 : i64, tpu.core_type = #tpu.core_type<tc>, window_params = [{transform_indices = @transform_0, window_bounds = array<i64: 1, 32, 32, 32>}, {pipeline_mode = #tpu.pipeline_mode<synchronous>, transform_indices = @transform_1, window_bounds = array<i64: 8192, 32>}, {transform_indices = @transform_2, window_bounds = array<i64: 1, 1, 1024>}, {transform_indices = @transform_3, window_bounds = array<i64: 1, 1>}]} {
    %get3A = arith.constant 0 : index
    %get3A_0 = arith.constant 0 : index
    %get3A_1 = arith.constant 0 : index
    %get3A_2 = arith.constant 0 : index
    %get3A_3 = vector.load %arg1[%get3A, %get3A_0, %get3A_1, %get3A_2] : memref<1x32x32x32xf32, #tpu.memory_space<vmem>>, vector<1x32x32x32xf32>
    %get3A_4 = vector.shape_cast %get3A_3 : vector<1x32x32x32xf32> to vector<32x32x32xf32>
    %reshape3A = vector.shape_cast %get3A_4 : vector<32x32x32xf32> to vector<32x1024xf32>
    %mul3A = arith.mulf %reshape3A, %reshape3A : vector<32x1024xf32>
    %reduce_sum3A = arith.constant dense<0.000000e+00> : vector<1024xf32>
    %reduce_sum3A_5 = vector.multi_reduction <add>, %mul3A, %reduce_sum3A [0] : vector<32x1024xf32> to vector<1024xf32>
    %broadcast_in_dim3A = vector.shape_cast %reduce_sum3A_5 : vector<1024xf32> to vector<1x1024xf32>
    %mul3A_6 = arith.constant -2.000000e+00 : f32
    %mul3A_7 = vector.broadcast %mul3A_6 : f32 to vector<32x1024xf32>
    %mul3A_8 = arith.mulf %reshape3A, %mul3A_7 : vector<32x1024xf32>
    %get3A_9 = arith.constant 0 : index
    %get3A_10 = arith.constant 0 : index
    %get3A_11 = vector.load %arg2[%get3A_9, %get3A_10] : memref<8192x32xf32, #tpu.memory_space<vmem>>, vector<8192x32xf32>
    %get3A_12 = arith.constant 0 : index
    %get3A_13 = arith.constant 0 : index
    %get3A_14 = vector.load %arg2[%get3A_12, %get3A_13] : memref<8192x32xf32, #tpu.memory_space<vmem>>, vector<8192x32xf32>
    %mul3A_15 = arith.mulf %get3A_11, %get3A_14 : vector<8192x32xf32>
    %reduce_sum3A_16 = arith.constant dense<0.000000e+00> : vector<8192xf32>
    %reduce_sum3A_17 = vector.multi_reduction <add>, %mul3A_15, %reduce_sum3A_16 [1] : vector<8192x32xf32> to vector<8192xf32>
    %broadcast_in_dim3A_18 = vector.shape_cast %reduce_sum3A_17 : vector<8192xf32> to vector<8192x1xf32>
    %slice3A = vector.extract_strided_slice %mul3A_8 {offsets = [0, 0], sizes = [32, 256], strides = [1, 1]} : vector<32x1024xf32> to vector<32x256xf32>
    %slice3A_19 = vector.extract_strided_slice %broadcast_in_dim3A {offsets = [0, 0], sizes = [1, 256], strides = [1, 1]} : vector<1x1024xf32> to vector<1x256xf32>
    %broadcast_in_dim3A_20 = arith.constant 0x7F800000 : f32
    %broadcast_in_dim3A_21 = vector.broadcast %broadcast_in_dim3A_20 : f32 to vector<128x256xf32>
    %broadcast_in_dim3A_22 = arith.constant 0 : i32
    %broadcast_in_dim3A_23 = vector.broadcast %broadcast_in_dim3A_22 : i32 to vector<128x256xi32>
    %get3A_24 = arith.constant 0 : index
    %get3A_25 = arith.constant 0 : index
    %get3A_26 = vector.load %arg2[%get3A_24, %get3A_25] : memref<8192x32xf32, #tpu.memory_space<vmem>>, vector<2048x32xf32>
    %slice3A_27 = vector.extract_strided_slice %broadcast_in_dim3A_18 {offsets = [0, 0], sizes = [2048, 1], strides = [1, 1]} : vector<8192x1xf32> to vector<2048x1xf32>
    %dot_general3A = arith.constant dense<0.000000e+00> : vector<2048x256xf32>
    %dot_general3A_28 = tpu.matmul %get3A_26, %slice3A, %dot_general3A {dimension_numbers = #tpu.dot_dimension_numbers<[1], [0], [0], [1], [0, 0, 1, 1], [], []>, transpose_lhs_hint = false} : vector<2048x32xf32>, vector<32x256xf32>, vector<2048x256xf32> -> vector<2048x256xf32>
    %add3A = vector.broadcast %slice3A_19 : vector<1x256xf32> to vector<2048x256xf32>
    %add3A_29 = vector.broadcast %slice3A_27 : vector<2048x1xf32> to vector<2048x256xf32>
    %add3A_30 = arith.addf %add3A, %add3A_29 : vector<2048x256xf32>
    %add3A_31 = arith.addf %add3A_30, %dot_general3A_28 : vector<2048x256xf32>
    %slice3A_32 = vector.extract_strided_slice %add3A_31 {offsets = [0, 0], sizes = [128, 256], strides = [1, 1]} : vector<2048x256xf32> to vector<128x256xf32>
    %lt3A = arith.cmpf olt, %slice3A_32, %broadcast_in_dim3A_21 : vector<128x256xf32>
    %min3A = arith.minimumf %slice3A_32, %broadcast_in_dim3A_21 : vector<128x256xf32>
    %jit3A = arith.constant 0 : i32
    %broadcast_in_dim3A_33 = vector.broadcast %jit3A : i32 to vector<128x256xi32>
    %select_n3A = arith.select %lt3A, %broadcast_in_dim3A_33, %broadcast_in_dim3A_23 : vector<128x256xi1>, vector<128x256xi32>
    %slice3A_34 = vector.extract_strided_slice %add3A_31 {offsets = [128, 0], sizes = [128, 256], strides = [1, 1]} : vector<2048x256xf32> to vector<128x256xf32>
    %lt3A_35 = arith.cmpf olt, %slice3A_34, %min3A : vector<128x256xf32>
    %min3A_36 = arith.minimumf %slice3A_34, %min3A : vector<128x256xf32>
    %jit3A_37 = arith.constant 1 : i32
    %broadcast_in_dim3A_38 = vector.broadcast %jit3A_37 : i32 to vector<128x256xi32>
    %select_n3A_39 = arith.select %lt3A_35, %broadcast_in_dim3A_38, %select_n3A : vector<128x256xi1>, vector<128x256xi32>
    %slice3A_40 = vector.extract_strided_slice %add3A_31 {offsets = [256, 0], sizes = [128, 256], strides = [1, 1]} : vector<2048x256xf32> to vector<128x256xf32>
    %lt3A_41 = arith.cmpf olt, %slice3A_40, %min3A_36 : vector<128x256xf32>
    %min3A_42 = arith.minimumf %slice3A_40, %min3A_36 : vector<128x256xf32>
    %jit3A_43 = arith.constant 2 : i32
    %broadcast_in_dim3A_44 = vector.broadcast %jit3A_43 : i32 to vector<128x256xi32>
    %select_n3A_45 = arith.select %lt3A_41, %broadcast_in_dim3A_44, %select_n3A_39 : vector<128x256xi1>, vector<128x256xi32>
    %slice3A_46 = vector.extract_strided_slice %add3A_31 {offsets = [384, 0], sizes = [128, 256], strides = [1, 1]} : vector<2048x256xf32> to vector<128x256xf32>
    %lt3A_47 = arith.cmpf olt, %slice3A_46, %min3A_42 : vector<128x256xf32>
    %min3A_48 = arith.minimumf %slice3A_46, %min3A_42 : vector<128x256xf32>
    %jit3A_49 = arith.constant 3 : i32
    %broadcast_in_dim3A_50 = vector.broadcast %jit3A_49 : i32 to vector<128x256xi32>
    %select_n3A_51 = arith.select %lt3A_47, %broadcast_in_dim3A_50, %select_n3A_45 : vector<128x256xi1>, vector<128x256xi32>
    %slice3A_52 = vector.extract_strided_slice %add3A_31 {offsets = [512, 0], sizes = [128, 256], strides = [1, 1]} : vector<2048x256xf32> to vector<128x256xf32>
    %lt3A_53 = arith.cmpf olt, %slice3A_52, %min3A_48 : vector<128x256xf32>
    %min3A_54 = arith.minimumf %slice3A_52, %min3A_48 : vector<128x256xf32>
    %jit3A_55 = arith.constant 4 : i32
    %broadcast_in_dim3A_56 = vector.broadcast %jit3A_55 : i32 to vector<128x256xi32>
    %select_n3A_57 = arith.select %lt3A_53, %broadcast_in_dim3A_56, %select_n3A_51 : vector<128x256xi1>, vector<128x256xi32>
    %slice3A_58 = vector.extract_strided_slice %add3A_31 {offsets = [640, 0], sizes = [128, 256], strides = [1, 1]} : vector<2048x256xf32> to vector<128x256xf32>
    %lt3A_59 = arith.cmpf olt, %slice3A_58, %min3A_54 : vector<128x256xf32>
    %min3A_60 = arith.minimumf %slice3A_58, %min3A_54 : vector<128x256xf32>
    %jit3A_61 = arith.constant 5 : i32
    %broadcast_in_dim3A_62 = vector.broadcast %jit3A_61 : i32 to vector<128x256xi32>
    %select_n3A_63 = arith.select %lt3A_59, %broadcast_in_dim3A_62, %select_n3A_57 : vector<128x256xi1>, vector<128x256xi32>
    %slice3A_64 = vector.extract_strided_slice %add3A_31 {offsets = [768, 0], sizes = [128, 256], strides = [1, 1]} : vector<2048x256xf32> to vector<128x256xf32>
    %lt3A_65 = arith.cmpf olt, %slice3A_64, %min3A_60 : vector<128x256xf32>
    %min3A_66 = arith.minimumf %slice3A_64, %min3A_60 : vector<128x256xf32>
    %jit3A_67 = arith.constant 6 : i32
    %broadcast_in_dim3A_68 = vector.broadcast %jit3A_67 : i32 to vector<128x256xi32>
    %select_n3A_69 = arith.select %lt3A_65, %broadcast_in_dim3A_68, %select_n3A_63 : vector<128x256xi1>, vector<128x256xi32>
    %slice3A_70 = vector.extract_strided_slice %add3A_31 {offsets = [896, 0], sizes = [128, 256], strides = [1, 1]} : vector<2048x256xf32> to vector<128x256xf32>
    %lt3A_71 = arith.cmpf olt, %slice3A_70, %min3A_66 : vector<128x256xf32>
    %min3A_72 = arith.minimumf %slice3A_70, %min3A_66 : vector<128x256xf32>
    %jit3A_73 = arith.constant 7 : i32
    %broadcast_in_dim3A_74 = vector.broadcast %jit3A_73 : i32 to vector<128x256xi32>
    %select_n3A_75 = arith.select %lt3A_71, %broadcast_in_dim3A_74, %select_n3A_69 : vector<128x256xi1>, vector<128x256xi32>
    %slice3A_76 = vector.extract_strided_slice %add3A_31 {offsets = [1024, 0], sizes = [128, 256], strides = [1, 1]} : vector<2048x256xf32> to vector<128x256xf32>
    %lt3A_77 = arith.cmpf olt, %slice3A_76, %min3A_72 : vector<128x256xf32>
    %min3A_78 = arith.minimumf %slice3A_76, %min3A_72 : vector<128x256xf32>
    %jit3A_79 = arith.constant 8 : i32
    %broadcast_in_dim3A_80 = vector.broadcast %jit3A_79 : i32 to vector<128x256xi32>
    %select_n3A_81 = arith.select %lt3A_77, %broadcast_in_dim3A_80, %select_n3A_75 : vector<128x256xi1>, vector<128x256xi32>
    %slice3A_82 = vector.extract_strided_slice %add3A_31 {offsets = [1152, 0], sizes = [128, 256], strides = [1, 1]} : vector<2048x256xf32> to vector<128x256xf32>
    %lt3A_83 = arith.cmpf olt, %slice3A_82, %min3A_78 : vector<128x256xf32>
    %min3A_84 = arith.minimumf %slice3A_82, %min3A_78 : vector<128x256xf32>
    %jit3A_85 = arith.constant 9 : i32
    %broadcast_in_dim3A_86 = vector.broadcast %jit3A_85 : i32 to vector<128x256xi32>
    %select_n3A_87 = arith.select %lt3A_83, %broadcast_in_dim3A_86, %select_n3A_81 : vector<128x256xi1>, vector<128x256xi32>
    %slice3A_88 = vector.extract_strided_slice %add3A_31 {offsets = [1280, 0], sizes = [128, 256], strides = [1, 1]} : vector<2048x256xf32> to vector<128x256xf32>
    %lt3A_89 = arith.cmpf olt, %slice3A_88, %min3A_84 : vector<128x256xf32>
    %min3A_90 = arith.minimumf %slice3A_88, %min3A_84 : vector<128x256xf32>
    %jit3A_91 = arith.constant 10 : i32
    %broadcast_in_dim3A_92 = vector.broadcast %jit3A_91 : i32 to vector<128x256xi32>
    %select_n3A_93 = arith.select %lt3A_89, %broadcast_in_dim3A_92, %select_n3A_87 : vector<128x256xi1>, vector<128x256xi32>
    %slice3A_94 = vector.extract_strided_slice %add3A_31 {offsets = [1408, 0], sizes = [128, 256], strides = [1, 1]} : vector<2048x256xf32> to vector<128x256xf32>
    %lt3A_95 = arith.cmpf olt, %slice3A_94, %min3A_90 : vector<128x256xf32>
    %min3A_96 = arith.minimumf %slice3A_94, %min3A_90 : vector<128x256xf32>
    %jit3A_97 = arith.constant 11 : i32
    %broadcast_in_dim3A_98 = vector.broadcast %jit3A_97 : i32 to vector<128x256xi32>
    %select_n3A_99 = arith.select %lt3A_95, %broadcast_in_dim3A_98, %select_n3A_93 : vector<128x256xi1>, vector<128x256xi32>
    %slice3A_100 = vector.extract_strided_slice %add3A_31 {offsets = [1536, 0], sizes = [128, 256], strides = [1, 1]} : vector<2048x256xf32> to vector<128x256xf32>
    %lt3A_101 = arith.cmpf olt, %slice3A_100, %min3A_96 : vector<128x256xf32>
    %min3A_102 = arith.minimumf %slice3A_100, %min3A_96 : vector<128x256xf32>
    %jit3A_103 = arith.constant 12 : i32
    %broadcast_in_dim3A_104 = vector.broadcast %jit3A_103 : i32 to vector<128x256xi32>
    %select_n3A_105 = arith.select %lt3A_101, %broadcast_in_dim3A_104, %select_n3A_99 : vector<128x256xi1>, vector<128x256xi32>
    %slice3A_106 = vector.extract_strided_slice %add3A_31 {offsets = [1664, 0], sizes = [128, 256], strides = [1, 1]} : vector<2048x256xf32> to vector<128x256xf32>
    %lt3A_107 = arith.cmpf olt, %slice3A_106, %min3A_102 : vector<128x256xf32>
    %min3A_108 = arith.minimumf %slice3A_106, %min3A_102 : vector<128x256xf32>
    %jit3A_109 = arith.constant 13 : i32
    %broadcast_in_dim3A_110 = vector.broadcast %jit3A_109 : i32 to vector<128x256xi32>
    %select_n3A_111 = arith.select %lt3A_107, %broadcast_in_dim3A_110, %select_n3A_105 : vector<128x256xi1>, vector<128x256xi32>
    %slice3A_112 = vector.extract_strided_slice %add3A_31 {offsets = [1792, 0], sizes = [128, 256], strides = [1, 1]} : vector<2048x256xf32> to vector<128x256xf32>
    %lt3A_113 = arith.cmpf olt, %slice3A_112, %min3A_108 : vector<128x256xf32>
    %min3A_114 = arith.minimumf %slice3A_112, %min3A_108 : vector<128x256xf32>
    %jit3A_115 = arith.constant 14 : i32
    %broadcast_in_dim3A_116 = vector.broadcast %jit3A_115 : i32 to vector<128x256xi32>
    %select_n3A_117 = arith.select %lt3A_113, %broadcast_in_dim3A_116, %select_n3A_111 : vector<128x256xi1>, vector<128x256xi32>
    %slice3A_118 = vector.extract_strided_slice %add3A_31 {offsets = [1920, 0], sizes = [128, 256], strides = [1, 1]} : vector<2048x256xf32> to vector<128x256xf32>
    %lt3A_119 = arith.cmpf olt, %slice3A_118, %min3A_114 : vector<128x256xf32>
    %min3A_120 = arith.minimumf %slice3A_118, %min3A_114 : vector<128x256xf32>
    %jit3A_121 = arith.constant 15 : i32
    %broadcast_in_dim3A_122 = vector.broadcast %jit3A_121 : i32 to vector<128x256xi32>
    %select_n3A_123 = arith.select %lt3A_119, %broadcast_in_dim3A_122, %select_n3A_117 : vector<128x256xi1>, vector<128x256xi32>
    %get3A_124 = arith.constant 2048 : index
    %get3A_125 = arith.constant 0 : index
    %get3A_126 = vector.load %arg2[%get3A_124, %get3A_125] : memref<8192x32xf32, #tpu.memory_space<vmem>>, vector<2048x32xf32>
    %slice3A_127 = vector.extract_strided_slice %broadcast_in_dim3A_18 {offsets = [2048, 0], sizes = [2048, 1], strides = [1, 1]} : vector<8192x1xf32> to vector<2048x1xf32>
    %dot_general3A_128 = arith.constant dense<0.000000e+00> : vector<2048x256xf32>
    %dot_general3A_129 = tpu.matmul %get3A_126, %slice3A, %dot_general3A_128 {dimension_numbers = #tpu.dot_dimension_numbers<[1], [0], [0], [1], [0, 0, 1, 1], [], []>, transpose_lhs_hint = false} : vector<2048x32xf32>, vector<32x256xf32>, vector<2048x256xf32> -> vector<2048x256xf32>
    %add3A_130 = vector.broadcast %slice3A_19 : vector<1x256xf32> to vector<2048x256xf32>
    %add3A_131 = vector.broadcast %slice3A_127 : vector<2048x1xf32> to vector<2048x256xf32>
    %add3A_132 = arith.addf %add3A_130, %add3A_131 : vector<2048x256xf32>
    %add3A_133 = arith.addf %add3A_132, %dot_general3A_129 : vector<2048x256xf32>
    %slice3A_134 = vector.extract_strided_slice %add3A_133 {offsets = [0, 0], sizes = [128, 256], strides = [1, 1]} : vector<2048x256xf32> to vector<128x256xf32>
    %lt3A_135 = arith.cmpf olt, %slice3A_134, %min3A_120 : vector<128x256xf32>
    %min3A_136 = arith.minimumf %slice3A_134, %min3A_120 : vector<128x256xf32>
    %jit3A_137 = arith.constant 16 : i32
    %broadcast_in_dim3A_138 = vector.broadcast %jit3A_137 : i32 to vector<128x256xi32>
    %select_n3A_139 = arith.select %lt3A_135, %broadcast_in_dim3A_138, %select_n3A_123 : vector<128x256xi1>, vector<128x256xi32>
    %slice3A_140 = vector.extract_strided_slice %add3A_133 {offsets = [128, 0], sizes = [128, 256], strides = [1, 1]} : vector<2048x256xf32> to vector<128x256xf32>
    %lt3A_141 = arith.cmpf olt, %slice3A_140, %min3A_136 : vector<128x256xf32>
    %min3A_142 = arith.minimumf %slice3A_140, %min3A_136 : vector<128x256xf32>
    %jit3A_143 = arith.constant 17 : i32
    %broadcast_in_dim3A_144 = vector.broadcast %jit3A_143 : i32 to vector<128x256xi32>
    %select_n3A_145 = arith.select %lt3A_141, %broadcast_in_dim3A_144, %select_n3A_139 : vector<128x256xi1>, vector<128x256xi32>
    %slice3A_146 = vector.extract_strided_slice %add3A_133 {offsets = [256, 0], sizes = [128, 256], strides = [1, 1]} : vector<2048x256xf32> to vector<128x256xf32>
    %lt3A_147 = arith.cmpf olt, %slice3A_146, %min3A_142 : vector<128x256xf32>
    %min3A_148 = arith.minimumf %slice3A_146, %min3A_142 : vector<128x256xf32>
    %jit3A_149 = arith.constant 18 : i32
    %broadcast_in_dim3A_150 = vector.broadcast %jit3A_149 : i32 to vector<128x256xi32>
    %select_n3A_151 = arith.select %lt3A_147, %broadcast_in_dim3A_150, %select_n3A_145 : vector<128x256xi1>, vector<128x256xi32>
    %slice3A_152 = vector.extract_strided_slice %add3A_133 {offsets = [384, 0], sizes = [128, 256], strides = [1, 1]} : vector<2048x256xf32> to vector<128x256xf32>
    %lt3A_153 = arith.cmpf olt, %slice3A_152, %min3A_148 : vector<128x256xf32>
    %min3A_154 = arith.minimumf %slice3A_152, %min3A_148 : vector<128x256xf32>
    %jit3A_155 = arith.constant 19 : i32
    %broadcast_in_dim3A_156 = vector.broadcast %jit3A_155 : i32 to vector<128x256xi32>
    %select_n3A_157 = arith.select %lt3A_153, %broadcast_in_dim3A_156, %select_n3A_151 : vector<128x256xi1>, vector<128x256xi32>
    %slice3A_158 = vector.extract_strided_slice %add3A_133 {offsets = [512, 0], sizes = [128, 256], strides = [1, 1]} : vector<2048x256xf32> to vector<128x256xf32>
    %lt3A_159 = arith.cmpf olt, %slice3A_158, %min3A_154 : vector<128x256xf32>
    %min3A_160 = arith.minimumf %slice3A_158, %min3A_154 : vector<128x256xf32>
    %jit3A_161 = arith.constant 20 : i32
    %broadcast_in_dim3A_162 = vector.broadcast %jit3A_161 : i32 to vector<128x256xi32>
    %select_n3A_163 = arith.select %lt3A_159, %broadcast_in_dim3A_162, %select_n3A_157 : vector<128x256xi1>, vector<128x256xi32>
    %slice3A_164 = vector.extract_strided_slice %add3A_133 {offsets = [640, 0], sizes = [128, 256], strides = [1, 1]} : vector<2048x256xf32> to vector<128x256xf32>
    %lt3A_165 = arith.cmpf olt, %slice3A_164, %min3A_160 : vector<128x256xf32>
    %min3A_166 = arith.minimumf %slice3A_164, %min3A_160 : vector<128x256xf32>
    %jit3A_167 = arith.constant 21 : i32
    %broadcast_in_dim3A_168 = vector.broadcast %jit3A_167 : i32 to vector<128x256xi32>
    %select_n3A_169 = arith.select %lt3A_165, %broadcast_in_dim3A_168, %select_n3A_163 : vector<128x256xi1>, vector<128x256xi32>
    %slice3A_170 = vector.extract_strided_slice %add3A_133 {offsets = [768, 0], sizes = [128, 256], strides = [1, 1]} : vector<2048x256xf32> to vector<128x256xf32>
    %lt3A_171 = arith.cmpf olt, %slice3A_170, %min3A_166 : vector<128x256xf32>
    %min3A_172 = arith.minimumf %slice3A_170, %min3A_166 : vector<128x256xf32>
    %jit3A_173 = arith.constant 22 : i32
    %broadcast_in_dim3A_174 = vector.broadcast %jit3A_173 : i32 to vector<128x256xi32>
    %select_n3A_175 = arith.select %lt3A_171, %broadcast_in_dim3A_174, %select_n3A_169 : vector<128x256xi1>, vector<128x256xi32>
    %slice3A_176 = vector.extract_strided_slice %add3A_133 {offsets = [896, 0], sizes = [128, 256], strides = [1, 1]} : vector<2048x256xf32> to vector<128x256xf32>
    %lt3A_177 = arith.cmpf olt, %slice3A_176, %min3A_172 : vector<128x256xf32>
    %min3A_178 = arith.minimumf %slice3A_176, %min3A_172 : vector<128x256xf32>
    %jit3A_179 = arith.constant 23 : i32
    %broadcast_in_dim3A_180 = vector.broadcast %jit3A_179 : i32 to vector<128x256xi32>
    %select_n3A_181 = arith.select %lt3A_177, %broadcast_in_dim3A_180, %select_n3A_175 : vector<128x256xi1>, vector<128x256xi32>
    %slice3A_182 = vector.extract_strided_slice %add3A_133 {offsets = [1024, 0], sizes = [128, 256], strides = [1, 1]} : vector<2048x256xf32> to vector<128x256xf32>
    %lt3A_183 = arith.cmpf olt, %slice3A_182, %min3A_178 : vector<128x256xf32>
    %min3A_184 = arith.minimumf %slice3A_182, %min3A_178 : vector<128x256xf32>
    %jit3A_185 = arith.constant 24 : i32
    %broadcast_in_dim3A_186 = vector.broadcast %jit3A_185 : i32 to vector<128x256xi32>
    %select_n3A_187 = arith.select %lt3A_183, %broadcast_in_dim3A_186, %select_n3A_181 : vector<128x256xi1>, vector<128x256xi32>
    %slice3A_188 = vector.extract_strided_slice %add3A_133 {offsets = [1152, 0], sizes = [128, 256], strides = [1, 1]} : vector<2048x256xf32> to vector<128x256xf32>
    %lt3A_189 = arith.cmpf olt, %slice3A_188, %min3A_184 : vector<128x256xf32>
    %min3A_190 = arith.minimumf %slice3A_188, %min3A_184 : vector<128x256xf32>
    %jit3A_191 = arith.constant 25 : i32
    %broadcast_in_dim3A_192 = vector.broadcast %jit3A_191 : i32 to vector<128x256xi32>
    %select_n3A_193 = arith.select %lt3A_189, %broadcast_in_dim3A_192, %select_n3A_187 : vector<128x256xi1>, vector<128x256xi32>
    %slice3A_194 = vector.extract_strided_slice %add3A_133 {offsets = [1280, 0], sizes = [128, 256], strides = [1, 1]} : vector<2048x256xf32> to vector<128x256xf32>
    %lt3A_195 = arith.cmpf olt, %slice3A_194, %min3A_190 : vector<128x256xf32>
    %min3A_196 = arith.minimumf %slice3A_194, %min3A_190 : vector<128x256xf32>
    %jit3A_197 = arith.constant 26 : i32
    %broadcast_in_dim3A_198 = vector.broadcast %jit3A_197 : i32 to vector<128x256xi32>
    %select_n3A_199 = arith.select %lt3A_195, %broadcast_in_dim3A_198, %select_n3A_193 : vector<128x256xi1>, vector<128x256xi32>
    %slice3A_200 = vector.extract_strided_slice %add3A_133 {offsets = [1408, 0], sizes = [128, 256], strides = [1, 1]} : vector<2048x256xf32> to vector<128x256xf32>
    %lt3A_201 = arith.cmpf olt, %slice3A_200, %min3A_196 : vector<128x256xf32>
    %min3A_202 = arith.minimumf %slice3A_200, %min3A_196 : vector<128x256xf32>
    %jit3A_203 = arith.constant 27 : i32
    %broadcast_in_dim3A_204 = vector.broadcast %jit3A_203 : i32 to vector<128x256xi32>
    %select_n3A_205 = arith.select %lt3A_201, %broadcast_in_dim3A_204, %select_n3A_199 : vector<128x256xi1>, vector<128x256xi32>
    %slice3A_206 = vector.extract_strided_slice %add3A_133 {offsets = [1536, 0], sizes = [128, 256], strides = [1, 1]} : vector<2048x256xf32> to vector<128x256xf32>
    %lt3A_207 = arith.cmpf olt, %slice3A_206, %min3A_202 : vector<128x256xf32>
    %min3A_208 = arith.minimumf %slice3A_206, %min3A_202 : vector<128x256xf32>
    %jit3A_209 = arith.constant 28 : i32
    %broadcast_in_dim3A_210 = vector.broadcast %jit3A_209 : i32 to vector<128x256xi32>
    %select_n3A_211 = arith.select %lt3A_207, %broadcast_in_dim3A_210, %select_n3A_205 : vector<128x256xi1>, vector<128x256xi32>
    %slice3A_212 = vector.extract_strided_slice %add3A_133 {offsets = [1664, 0], sizes = [128, 256], strides = [1, 1]} : vector<2048x256xf32> to vector<128x256xf32>
    %lt3A_213 = arith.cmpf olt, %slice3A_212, %min3A_208 : vector<128x256xf32>
    %min3A_214 = arith.minimumf %slice3A_212, %min3A_208 : vector<128x256xf32>
    %jit3A_215 = arith.constant 29 : i32
    %broadcast_in_dim3A_216 = vector.broadcast %jit3A_215 : i32 to vector<128x256xi32>
    %select_n3A_217 = arith.select %lt3A_213, %broadcast_in_dim3A_216, %select_n3A_211 : vector<128x256xi1>, vector<128x256xi32>
    %slice3A_218 = vector.extract_strided_slice %add3A_133 {offsets = [1792, 0], sizes = [128, 256], strides = [1, 1]} : vector<2048x256xf32> to vector<128x256xf32>
    %lt3A_219 = arith.cmpf olt, %slice3A_218, %min3A_214 : vector<128x256xf32>
    %min3A_220 = arith.minimumf %slice3A_218, %min3A_214 : vector<128x256xf32>
    %jit3A_221 = arith.constant 30 : i32
    %broadcast_in_dim3A_222 = vector.broadcast %jit3A_221 : i32 to vector<128x256xi32>
    %select_n3A_223 = arith.select %lt3A_219, %broadcast_in_dim3A_222, %select_n3A_217 : vector<128x256xi1>, vector<128x256xi32>
    %slice3A_224 = vector.extract_strided_slice %add3A_133 {offsets = [1920, 0], sizes = [128, 256], strides = [1, 1]} : vector<2048x256xf32> to vector<128x256xf32>
    %lt3A_225 = arith.cmpf olt, %slice3A_224, %min3A_220 : vector<128x256xf32>
    %min3A_226 = arith.minimumf %slice3A_224, %min3A_220 : vector<128x256xf32>
    %jit3A_227 = arith.constant 31 : i32
    %broadcast_in_dim3A_228 = vector.broadcast %jit3A_227 : i32 to vector<128x256xi32>
    %select_n3A_229 = arith.select %lt3A_225, %broadcast_in_dim3A_228, %select_n3A_223 : vector<128x256xi1>, vector<128x256xi32>
    %get3A_230 = arith.constant 4096 : index
    %get3A_231 = arith.constant 0 : index
    %get3A_232 = vector.load %arg2[%get3A_230, %get3A_231] : memref<8192x32xf32, #tpu.memory_space<vmem>>, vector<2048x32xf32>
    %slice3A_233 = vector.extract_strided_slice %broadcast_in_dim3A_18 {offsets = [4096, 0], sizes = [2048, 1], strides = [1, 1]} : vector<8192x1xf32> to vector<2048x1xf32>
    %dot_general3A_234 = arith.constant dense<0.000000e+00> : vector<2048x256xf32>
    %dot_general3A_235 = tpu.matmul %get3A_232, %slice3A, %dot_general3A_234 {dimension_numbers = #tpu.dot_dimension_numbers<[1], [0], [0], [1], [0, 0, 1, 1], [], []>, transpose_lhs_hint = false} : vector<2048x32xf32>, vector<32x256xf32>, vector<2048x256xf32> -> vector<2048x256xf32>
    %add3A_236 = vector.broadcast %slice3A_19 : vector<1x256xf32> to vector<2048x256xf32>
    %add3A_237 = vector.broadcast %slice3A_233 : vector<2048x1xf32> to vector<2048x256xf32>
    %add3A_238 = arith.addf %add3A_236, %add3A_237 : vector<2048x256xf32>
    %add3A_239 = arith.addf %add3A_238, %dot_general3A_235 : vector<2048x256xf32>
    %slice3A_240 = vector.extract_strided_slice %add3A_239 {offsets = [0, 0], sizes = [128, 256], strides = [1, 1]} : vector<2048x256xf32> to vector<128x256xf32>
    %lt3A_241 = arith.cmpf olt, %slice3A_240, %min3A_226 : vector<128x256xf32>
    %min3A_242 = arith.minimumf %slice3A_240, %min3A_226 : vector<128x256xf32>
    %jit3A_243 = arith.constant 32 : i32
    %broadcast_in_dim3A_244 = vector.broadcast %jit3A_243 : i32 to vector<128x256xi32>
    %select_n3A_245 = arith.select %lt3A_241, %broadcast_in_dim3A_244, %select_n3A_229 : vector<128x256xi1>, vector<128x256xi32>
    %slice3A_246 = vector.extract_strided_slice %add3A_239 {offsets = [128, 0], sizes = [128, 256], strides = [1, 1]} : vector<2048x256xf32> to vector<128x256xf32>
    %lt3A_247 = arith.cmpf olt, %slice3A_246, %min3A_242 : vector<128x256xf32>
    %min3A_248 = arith.minimumf %slice3A_246, %min3A_242 : vector<128x256xf32>
    %jit3A_249 = arith.constant 33 : i32
    %broadcast_in_dim3A_250 = vector.broadcast %jit3A_249 : i32 to vector<128x256xi32>
    %select_n3A_251 = arith.select %lt3A_247, %broadcast_in_dim3A_250, %select_n3A_245 : vector<128x256xi1>, vector<128x256xi32>
    %slice3A_252 = vector.extract_strided_slice %add3A_239 {offsets = [256, 0], sizes = [128, 256], strides = [1, 1]} : vector<2048x256xf32> to vector<128x256xf32>
    %lt3A_253 = arith.cmpf olt, %slice3A_252, %min3A_248 : vector<128x256xf32>
    %min3A_254 = arith.minimumf %slice3A_252, %min3A_248 : vector<128x256xf32>
    %jit3A_255 = arith.constant 34 : i32
    %broadcast_in_dim3A_256 = vector.broadcast %jit3A_255 : i32 to vector<128x256xi32>
    %select_n3A_257 = arith.select %lt3A_253, %broadcast_in_dim3A_256, %select_n3A_251 : vector<128x256xi1>, vector<128x256xi32>
    %slice3A_258 = vector.extract_strided_slice %add3A_239 {offsets = [384, 0], sizes = [128, 256], strides = [1, 1]} : vector<2048x256xf32> to vector<128x256xf32>
    %lt3A_259 = arith.cmpf olt, %slice3A_258, %min3A_254 : vector<128x256xf32>
    %min3A_260 = arith.minimumf %slice3A_258, %min3A_254 : vector<128x256xf32>
    %jit3A_261 = arith.constant 35 : i32
    %broadcast_in_dim3A_262 = vector.broadcast %jit3A_261 : i32 to vector<128x256xi32>
    %select_n3A_263 = arith.select %lt3A_259, %broadcast_in_dim3A_262, %select_n3A_257 : vector<128x256xi1>, vector<128x256xi32>
    %slice3A_264 = vector.extract_strided_slice %add3A_239 {offsets = [512, 0], sizes = [128, 256], strides = [1, 1]} : vector<2048x256xf32> to vector<128x256xf32>
    %lt3A_265 = arith.cmpf olt, %slice3A_264, %min3A_260 : vector<128x256xf32>
    %min3A_266 = arith.minimumf %slice3A_264, %min3A_260 : vector<128x256xf32>
    %jit3A_267 = arith.constant 36 : i32
    %broadcast_in_dim3A_268 = vector.broadcast %jit3A_267 : i32 to vector<128x256xi32>
    %select_n3A_269 = arith.select %lt3A_265, %broadcast_in_dim3A_268, %select_n3A_263 : vector<128x256xi1>, vector<128x256xi32>
    %slice3A_270 = vector.extract_strided_slice %add3A_239 {offsets = [640, 0], sizes = [128, 256], strides = [1, 1]} : vector<2048x256xf32> to vector<128x256xf32>
    %lt3A_271 = arith.cmpf olt, %slice3A_270, %min3A_266 : vector<128x256xf32>
    %min3A_272 = arith.minimumf %slice3A_270, %min3A_266 : vector<128x256xf32>
    %jit3A_273 = arith.constant 37 : i32
    %broadcast_in_dim3A_274 = vector.broadcast %jit3A_273 : i32 to vector<128x256xi32>
    %select_n3A_275 = arith.select %lt3A_271, %broadcast_in_dim3A_274, %select_n3A_269 : vector<128x256xi1>, vector<128x256xi32>
    %slice3A_276 = vector.extract_strided_slice %add3A_239 {offsets = [768, 0], sizes = [128, 256], strides = [1, 1]} : vector<2048x256xf32> to vector<128x256xf32>
    %lt3A_277 = arith.cmpf olt, %slice3A_276, %min3A_272 : vector<128x256xf32>
    %min3A_278 = arith.minimumf %slice3A_276, %min3A_272 : vector<128x256xf32>
    %jit3A_279 = arith.constant 38 : i32
    %broadcast_in_dim3A_280 = vector.broadcast %jit3A_279 : i32 to vector<128x256xi32>
    %select_n3A_281 = arith.select %lt3A_277, %broadcast_in_dim3A_280, %select_n3A_275 : vector<128x256xi1>, vector<128x256xi32>
    %slice3A_282 = vector.extract_strided_slice %add3A_239 {offsets = [896, 0], sizes = [128, 256], strides = [1, 1]} : vector<2048x256xf32> to vector<128x256xf32>
    %lt3A_283 = arith.cmpf olt, %slice3A_282, %min3A_278 : vector<128x256xf32>
    %min3A_284 = arith.minimumf %slice3A_282, %min3A_278 : vector<128x256xf32>
    %jit3A_285 = arith.constant 39 : i32
    %broadcast_in_dim3A_286 = vector.broadcast %jit3A_285 : i32 to vector<128x256xi32>
    %select_n3A_287 = arith.select %lt3A_283, %broadcast_in_dim3A_286, %select_n3A_281 : vector<128x256xi1>, vector<128x256xi32>
    %slice3A_288 = vector.extract_strided_slice %add3A_239 {offsets = [1024, 0], sizes = [128, 256], strides = [1, 1]} : vector<2048x256xf32> to vector<128x256xf32>
    %lt3A_289 = arith.cmpf olt, %slice3A_288, %min3A_284 : vector<128x256xf32>
    %min3A_290 = arith.minimumf %slice3A_288, %min3A_284 : vector<128x256xf32>
    %jit3A_291 = arith.constant 40 : i32
    %broadcast_in_dim3A_292 = vector.broadcast %jit3A_291 : i32 to vector<128x256xi32>
    %select_n3A_293 = arith.select %lt3A_289, %broadcast_in_dim3A_292, %select_n3A_287 : vector<128x256xi1>, vector<128x256xi32>
    %slice3A_294 = vector.extract_strided_slice %add3A_239 {offsets = [1152, 0], sizes = [128, 256], strides = [1, 1]} : vector<2048x256xf32> to vector<128x256xf32>
    %lt3A_295 = arith.cmpf olt, %slice3A_294, %min3A_290 : vector<128x256xf32>
    %min3A_296 = arith.minimumf %slice3A_294, %min3A_290 : vector<128x256xf32>
    %jit3A_297 = arith.constant 41 : i32
    %broadcast_in_dim3A_298 = vector.broadcast %jit3A_297 : i32 to vector<128x256xi32>
    %select_n3A_299 = arith.select %lt3A_295, %broadcast_in_dim3A_298, %select_n3A_293 : vector<128x256xi1>, vector<128x256xi32>
    %slice3A_300 = vector.extract_strided_slice %add3A_239 {offsets = [1280, 0], sizes = [128, 256], strides = [1, 1]} : vector<2048x256xf32> to vector<128x256xf32>
    %lt3A_301 = arith.cmpf olt, %slice3A_300, %min3A_296 : vector<128x256xf32>
    %min3A_302 = arith.minimumf %slice3A_300, %min3A_296 : vector<128x256xf32>
    %jit3A_303 = arith.constant 42 : i32
    %broadcast_in_dim3A_304 = vector.broadcast %jit3A_303 : i32 to vector<128x256xi32>
    %select_n3A_305 = arith.select %lt3A_301, %broadcast_in_dim3A_304, %select_n3A_299 : vector<128x256xi1>, vector<128x256xi32>
    %slice3A_306 = vector.extract_strided_slice %add3A_239 {offsets = [1408, 0], sizes = [128, 256], strides = [1, 1]} : vector<2048x256xf32> to vector<128x256xf32>
    %lt3A_307 = arith.cmpf olt, %slice3A_306, %min3A_302 : vector<128x256xf32>
    %min3A_308 = arith.minimumf %slice3A_306, %min3A_302 : vector<128x256xf32>
    %jit3A_309 = arith.constant 43 : i32
    %broadcast_in_dim3A_310 = vector.broadcast %jit3A_309 : i32 to vector<128x256xi32>
    %select_n3A_311 = arith.select %lt3A_307, %broadcast_in_dim3A_310, %select_n3A_305 : vector<128x256xi1>, vector<128x256xi32>
    %slice3A_312 = vector.extract_strided_slice %add3A_239 {offsets = [1536, 0], sizes = [128, 256], strides = [1, 1]} : vector<2048x256xf32> to vector<128x256xf32>
    %lt3A_313 = arith.cmpf olt, %slice3A_312, %min3A_308 : vector<128x256xf32>
    %min3A_314 = arith.minimumf %slice3A_312, %min3A_308 : vector<128x256xf32>
    %jit3A_315 = arith.constant 44 : i32
    %broadcast_in_dim3A_316 = vector.broadcast %jit3A_315 : i32 to vector<128x256xi32>
    %select_n3A_317 = arith.select %lt3A_313, %broadcast_in_dim3A_316, %select_n3A_311 : vector<128x256xi1>, vector<128x256xi32>
    %slice3A_318 = vector.extract_strided_slice %add3A_239 {offsets = [1664, 0], sizes = [128, 256], strides = [1, 1]} : vector<2048x256xf32> to vector<128x256xf32>
    %lt3A_319 = arith.cmpf olt, %slice3A_318, %min3A_314 : vector<128x256xf32>
    %min3A_320 = arith.minimumf %slice3A_318, %min3A_314 : vector<128x256xf32>
    %jit3A_321 = arith.constant 45 : i32
    %broadcast_in_dim3A_322 = vector.broadcast %jit3A_321 : i32 to vector<128x256xi32>
    %select_n3A_323 = arith.select %lt3A_319, %broadcast_in_dim3A_322, %select_n3A_317 : vector<128x256xi1>, vector<128x256xi32>
    %slice3A_324 = vector.extract_strided_slice %add3A_239 {offsets = [1792, 0], sizes = [128, 256], strides = [1, 1]} : vector<2048x256xf32> to vector<128x256xf32>
    %lt3A_325 = arith.cmpf olt, %slice3A_324, %min3A_320 : vector<128x256xf32>
    %min3A_326 = arith.minimumf %slice3A_324, %min3A_320 : vector<128x256xf32>
    %jit3A_327 = arith.constant 46 : i32
    %broadcast_in_dim3A_328 = vector.broadcast %jit3A_327 : i32 to vector<128x256xi32>
    %select_n3A_329 = arith.select %lt3A_325, %broadcast_in_dim3A_328, %select_n3A_323 : vector<128x256xi1>, vector<128x256xi32>
    %slice3A_330 = vector.extract_strided_slice %add3A_239 {offsets = [1920, 0], sizes = [128, 256], strides = [1, 1]} : vector<2048x256xf32> to vector<128x256xf32>
    %lt3A_331 = arith.cmpf olt, %slice3A_330, %min3A_326 : vector<128x256xf32>
    %min3A_332 = arith.minimumf %slice3A_330, %min3A_326 : vector<128x256xf32>
    %jit3A_333 = arith.constant 47 : i32
    %broadcast_in_dim3A_334 = vector.broadcast %jit3A_333 : i32 to vector<128x256xi32>
    %select_n3A_335 = arith.select %lt3A_331, %broadcast_in_dim3A_334, %select_n3A_329 : vector<128x256xi1>, vector<128x256xi32>
    %get3A_336 = arith.constant 6144 : index
    %get3A_337 = arith.constant 0 : index
    %get3A_338 = vector.load %arg2[%get3A_336, %get3A_337] : memref<8192x32xf32, #tpu.memory_space<vmem>>, vector<2048x32xf32>
    %slice3A_339 = vector.extract_strided_slice %broadcast_in_dim3A_18 {offsets = [6144, 0], sizes = [2048, 1], strides = [1, 1]} : vector<8192x1xf32> to vector<2048x1xf32>
    %dot_general3A_340 = arith.constant dense<0.000000e+00> : vector<2048x256xf32>
    %dot_general3A_341 = tpu.matmul %get3A_338, %slice3A, %dot_general3A_340 {dimension_numbers = #tpu.dot_dimension_numbers<[1], [0], [0], [1], [0, 0, 1, 1], [], []>, transpose_lhs_hint = false} : vector<2048x32xf32>, vector<32x256xf32>, vector<2048x256xf32> -> vector<2048x256xf32>
    %add3A_342 = vector.broadcast %slice3A_19 : vector<1x256xf32> to vector<2048x256xf32>
    %add3A_343 = vector.broadcast %slice3A_339 : vector<2048x1xf32> to vector<2048x256xf32>
    %add3A_344 = arith.addf %add3A_342, %add3A_343 : vector<2048x256xf32>
    %add3A_345 = arith.addf %add3A_344, %dot_general3A_341 : vector<2048x256xf32>
    %slice3A_346 = vector.extract_strided_slice %add3A_345 {offsets = [0, 0], sizes = [128, 256], strides = [1, 1]} : vector<2048x256xf32> to vector<128x256xf32>
    %lt3A_347 = arith.cmpf olt, %slice3A_346, %min3A_332 : vector<128x256xf32>
    %min3A_348 = arith.minimumf %slice3A_346, %min3A_332 : vector<128x256xf32>
    %jit3A_349 = arith.constant 48 : i32
    %broadcast_in_dim3A_350 = vector.broadcast %jit3A_349 : i32 to vector<128x256xi32>
    %select_n3A_351 = arith.select %lt3A_347, %broadcast_in_dim3A_350, %select_n3A_335 : vector<128x256xi1>, vector<128x256xi32>
    %slice3A_352 = vector.extract_strided_slice %add3A_345 {offsets = [128, 0], sizes = [128, 256], strides = [1, 1]} : vector<2048x256xf32> to vector<128x256xf32>
    %lt3A_353 = arith.cmpf olt, %slice3A_352, %min3A_348 : vector<128x256xf32>
    %min3A_354 = arith.minimumf %slice3A_352, %min3A_348 : vector<128x256xf32>
    %jit3A_355 = arith.constant 49 : i32
    %broadcast_in_dim3A_356 = vector.broadcast %jit3A_355 : i32 to vector<128x256xi32>
    %select_n3A_357 = arith.select %lt3A_353, %broadcast_in_dim3A_356, %select_n3A_351 : vector<128x256xi1>, vector<128x256xi32>
    %slice3A_358 = vector.extract_strided_slice %add3A_345 {offsets = [256, 0], sizes = [128, 256], strides = [1, 1]} : vector<2048x256xf32> to vector<128x256xf32>
    %lt3A_359 = arith.cmpf olt, %slice3A_358, %min3A_354 : vector<128x256xf32>
    %min3A_360 = arith.minimumf %slice3A_358, %min3A_354 : vector<128x256xf32>
    %jit3A_361 = arith.constant 50 : i32
    %broadcast_in_dim3A_362 = vector.broadcast %jit3A_361 : i32 to vector<128x256xi32>
    %select_n3A_363 = arith.select %lt3A_359, %broadcast_in_dim3A_362, %select_n3A_357 : vector<128x256xi1>, vector<128x256xi32>
    %slice3A_364 = vector.extract_strided_slice %add3A_345 {offsets = [384, 0], sizes = [128, 256], strides = [1, 1]} : vector<2048x256xf32> to vector<128x256xf32>
    %lt3A_365 = arith.cmpf olt, %slice3A_364, %min3A_360 : vector<128x256xf32>
    %min3A_366 = arith.minimumf %slice3A_364, %min3A_360 : vector<128x256xf32>
    %jit3A_367 = arith.constant 51 : i32
    %broadcast_in_dim3A_368 = vector.broadcast %jit3A_367 : i32 to vector<128x256xi32>
    %select_n3A_369 = arith.select %lt3A_365, %broadcast_in_dim3A_368, %select_n3A_363 : vector<128x256xi1>, vector<128x256xi32>
    %slice3A_370 = vector.extract_strided_slice %add3A_345 {offsets = [512, 0], sizes = [128, 256], strides = [1, 1]} : vector<2048x256xf32> to vector<128x256xf32>
    %lt3A_371 = arith.cmpf olt, %slice3A_370, %min3A_366 : vector<128x256xf32>
    %min3A_372 = arith.minimumf %slice3A_370, %min3A_366 : vector<128x256xf32>
    %jit3A_373 = arith.constant 52 : i32
    %broadcast_in_dim3A_374 = vector.broadcast %jit3A_373 : i32 to vector<128x256xi32>
    %select_n3A_375 = arith.select %lt3A_371, %broadcast_in_dim3A_374, %select_n3A_369 : vector<128x256xi1>, vector<128x256xi32>
    %slice3A_376 = vector.extract_strided_slice %add3A_345 {offsets = [640, 0], sizes = [128, 256], strides = [1, 1]} : vector<2048x256xf32> to vector<128x256xf32>
    %lt3A_377 = arith.cmpf olt, %slice3A_376, %min3A_372 : vector<128x256xf32>
    %min3A_378 = arith.minimumf %slice3A_376, %min3A_372 : vector<128x256xf32>
    %jit3A_379 = arith.constant 53 : i32
    %broadcast_in_dim3A_380 = vector.broadcast %jit3A_379 : i32 to vector<128x256xi32>
    %select_n3A_381 = arith.select %lt3A_377, %broadcast_in_dim3A_380, %select_n3A_375 : vector<128x256xi1>, vector<128x256xi32>
    %slice3A_382 = vector.extract_strided_slice %add3A_345 {offsets = [768, 0], sizes = [128, 256], strides = [1, 1]} : vector<2048x256xf32> to vector<128x256xf32>
    %lt3A_383 = arith.cmpf olt, %slice3A_382, %min3A_378 : vector<128x256xf32>
    %min3A_384 = arith.minimumf %slice3A_382, %min3A_378 : vector<128x256xf32>
    %jit3A_385 = arith.constant 54 : i32
    %broadcast_in_dim3A_386 = vector.broadcast %jit3A_385 : i32 to vector<128x256xi32>
    %select_n3A_387 = arith.select %lt3A_383, %broadcast_in_dim3A_386, %select_n3A_381 : vector<128x256xi1>, vector<128x256xi32>
    %slice3A_388 = vector.extract_strided_slice %add3A_345 {offsets = [896, 0], sizes = [128, 256], strides = [1, 1]} : vector<2048x256xf32> to vector<128x256xf32>
    %lt3A_389 = arith.cmpf olt, %slice3A_388, %min3A_384 : vector<128x256xf32>
    %min3A_390 = arith.minimumf %slice3A_388, %min3A_384 : vector<128x256xf32>
    %jit3A_391 = arith.constant 55 : i32
    %broadcast_in_dim3A_392 = vector.broadcast %jit3A_391 : i32 to vector<128x256xi32>
    %select_n3A_393 = arith.select %lt3A_389, %broadcast_in_dim3A_392, %select_n3A_387 : vector<128x256xi1>, vector<128x256xi32>
    %slice3A_394 = vector.extract_strided_slice %add3A_345 {offsets = [1024, 0], sizes = [128, 256], strides = [1, 1]} : vector<2048x256xf32> to vector<128x256xf32>
    %lt3A_395 = arith.cmpf olt, %slice3A_394, %min3A_390 : vector<128x256xf32>
    %min3A_396 = arith.minimumf %slice3A_394, %min3A_390 : vector<128x256xf32>
    %jit3A_397 = arith.constant 56 : i32
    %broadcast_in_dim3A_398 = vector.broadcast %jit3A_397 : i32 to vector<128x256xi32>
    %select_n3A_399 = arith.select %lt3A_395, %broadcast_in_dim3A_398, %select_n3A_393 : vector<128x256xi1>, vector<128x256xi32>
    %slice3A_400 = vector.extract_strided_slice %add3A_345 {offsets = [1152, 0], sizes = [128, 256], strides = [1, 1]} : vector<2048x256xf32> to vector<128x256xf32>
    %lt3A_401 = arith.cmpf olt, %slice3A_400, %min3A_396 : vector<128x256xf32>
    %min3A_402 = arith.minimumf %slice3A_400, %min3A_396 : vector<128x256xf32>
    %jit3A_403 = arith.constant 57 : i32
    %broadcast_in_dim3A_404 = vector.broadcast %jit3A_403 : i32 to vector<128x256xi32>
    %select_n3A_405 = arith.select %lt3A_401, %broadcast_in_dim3A_404, %select_n3A_399 : vector<128x256xi1>, vector<128x256xi32>
    %slice3A_406 = vector.extract_strided_slice %add3A_345 {offsets = [1280, 0], sizes = [128, 256], strides = [1, 1]} : vector<2048x256xf32> to vector<128x256xf32>
    %lt3A_407 = arith.cmpf olt, %slice3A_406, %min3A_402 : vector<128x256xf32>
    %min3A_408 = arith.minimumf %slice3A_406, %min3A_402 : vector<128x256xf32>
    %jit3A_409 = arith.constant 58 : i32
    %broadcast_in_dim3A_410 = vector.broadcast %jit3A_409 : i32 to vector<128x256xi32>
    %select_n3A_411 = arith.select %lt3A_407, %broadcast_in_dim3A_410, %select_n3A_405 : vector<128x256xi1>, vector<128x256xi32>
    %slice3A_412 = vector.extract_strided_slice %add3A_345 {offsets = [1408, 0], sizes = [128, 256], strides = [1, 1]} : vector<2048x256xf32> to vector<128x256xf32>
    %lt3A_413 = arith.cmpf olt, %slice3A_412, %min3A_408 : vector<128x256xf32>
    %min3A_414 = arith.minimumf %slice3A_412, %min3A_408 : vector<128x256xf32>
    %jit3A_415 = arith.constant 59 : i32
    %broadcast_in_dim3A_416 = vector.broadcast %jit3A_415 : i32 to vector<128x256xi32>
    %select_n3A_417 = arith.select %lt3A_413, %broadcast_in_dim3A_416, %select_n3A_411 : vector<128x256xi1>, vector<128x256xi32>
    %slice3A_418 = vector.extract_strided_slice %add3A_345 {offsets = [1536, 0], sizes = [128, 256], strides = [1, 1]} : vector<2048x256xf32> to vector<128x256xf32>
    %lt3A_419 = arith.cmpf olt, %slice3A_418, %min3A_414 : vector<128x256xf32>
    %min3A_420 = arith.minimumf %slice3A_418, %min3A_414 : vector<128x256xf32>
    %jit3A_421 = arith.constant 60 : i32
    %broadcast_in_dim3A_422 = vector.broadcast %jit3A_421 : i32 to vector<128x256xi32>
    %select_n3A_423 = arith.select %lt3A_419, %broadcast_in_dim3A_422, %select_n3A_417 : vector<128x256xi1>, vector<128x256xi32>
    %slice3A_424 = vector.extract_strided_slice %add3A_345 {offsets = [1664, 0], sizes = [128, 256], strides = [1, 1]} : vector<2048x256xf32> to vector<128x256xf32>
    %lt3A_425 = arith.cmpf olt, %slice3A_424, %min3A_420 : vector<128x256xf32>
    %min3A_426 = arith.minimumf %slice3A_424, %min3A_420 : vector<128x256xf32>
    %jit3A_427 = arith.constant 61 : i32
    %broadcast_in_dim3A_428 = vector.broadcast %jit3A_427 : i32 to vector<128x256xi32>
    %select_n3A_429 = arith.select %lt3A_425, %broadcast_in_dim3A_428, %select_n3A_423 : vector<128x256xi1>, vector<128x256xi32>
    %slice3A_430 = vector.extract_strided_slice %add3A_345 {offsets = [1792, 0], sizes = [128, 256], strides = [1, 1]} : vector<2048x256xf32> to vector<128x256xf32>
    %lt3A_431 = arith.cmpf olt, %slice3A_430, %min3A_426 : vector<128x256xf32>
    %min3A_432 = arith.minimumf %slice3A_430, %min3A_426 : vector<128x256xf32>
    %jit3A_433 = arith.constant 62 : i32
    %broadcast_in_dim3A_434 = vector.broadcast %jit3A_433 : i32 to vector<128x256xi32>
    %select_n3A_435 = arith.select %lt3A_431, %broadcast_in_dim3A_434, %select_n3A_429 : vector<128x256xi1>, vector<128x256xi32>
    %slice3A_436 = vector.extract_strided_slice %add3A_345 {offsets = [1920, 0], sizes = [128, 256], strides = [1, 1]} : vector<2048x256xf32> to vector<128x256xf32>
    %lt3A_437 = arith.cmpf olt, %slice3A_436, %min3A_432 : vector<128x256xf32>
    %min3A_438 = arith.minimumf %slice3A_436, %min3A_432 : vector<128x256xf32>
    %jit3A_439 = arith.constant 63 : i32
    %broadcast_in_dim3A_440 = vector.broadcast %jit3A_439 : i32 to vector<128x256xi32>
    %select_n3A_441 = arith.select %lt3A_437, %broadcast_in_dim3A_440, %select_n3A_435 : vector<128x256xi1>, vector<128x256xi32>
    %mul3A_442 = arith.constant 128 : i32
    %mul3A_443 = vector.broadcast %mul3A_442 : i32 to vector<128x256xi32>
    %mul3A_444 = arith.muli %select_n3A_441, %mul3A_443 : vector<128x256xi32>
    %iota3A = tpu.iota {dimensions = array<i32: 0>} : vector<128x256xi32>
    %add3A_445 = arith.addi %mul3A_444, %iota3A : vector<128x256xi32>
    %reduce_min3A = arith.constant dense<0x7F800000> : vector<256xf32>
    %reduce_min3A_446 = vector.multi_reduction <minimumf>, %min3A_438, %reduce_min3A [0] : vector<128x256xf32> to vector<256xf32>
    %broadcast_in_dim3A_447 = vector.shape_cast %reduce_min3A_446 : vector<256xf32> to vector<1x256xf32>
    %eq3A = vector.broadcast %broadcast_in_dim3A_447 : vector<1x256xf32> to vector<128x256xf32>
    %eq3A_448 = arith.cmpf oeq, %min3A_438, %eq3A : vector<128x256xf32>
    %jit3A_449 = arith.constant 8192 : i32
    %broadcast_in_dim3A_450 = vector.broadcast %jit3A_449 : i32 to vector<128x256xi32>
    %select_n3A_451 = arith.select %eq3A_448, %add3A_445, %broadcast_in_dim3A_450 : vector<128x256xi1>, vector<128x256xi32>
    %reduce_min3A_452 = arith.constant dense<2147483647> : vector<256xi32>
    %reduce_min3A_453 = vector.multi_reduction <minsi>, %select_n3A_451, %reduce_min3A_452 [0] : vector<128x256xi32> to vector<256xi32>
    %broadcast_in_dim3A_454 = vector.shape_cast %reduce_min3A_453 : vector<256xi32> to vector<1x256xi32>
    %squeeze3A = vector.shape_cast %broadcast_in_dim3A_454 : vector<1x256xi32> to vector<256xi32>
    %swap3A = arith.constant 0 : index
    %swap3A_455 = arith.constant 0 : index
    %swap3A_456 = arith.constant 0 : index
    %swap3A_457 = vector.load %arg3[%swap3A, %swap3A_455, %swap3A_456] : memref<1x1x1024xi32, #tpu.memory_space<vmem>>, vector<1x1x256xi32>
    %swap3A_458 = vector.shape_cast %swap3A_457 : vector<1x1x256xi32> to vector<256xi32>
    %swap3A_459 = vector.shape_cast %squeeze3A : vector<256xi32> to vector<1x1x256xi32>
    tpu.vector_store %arg3[%swap3A, %swap3A_455, %swap3A_456], %swap3A_459 {strides = array<i32>} : memref<1x1x1024xi32, #tpu.memory_space<vmem>>, vector<1x1x256xi32>,
    %reduce_sum3A_460 = vector.shape_cast %broadcast_in_dim3A_447 : vector<1x256xf32> to vector<1x1x256xf32>
    %reduce_sum3A_461 = arith.constant dense<0.000000e+00> : vector<1xf32>
    %reduce_sum3A_462 = vector.multi_reduction <add>, %reduce_sum3A_460, %reduce_sum3A_461 [1, 2] : vector<1x1x256xf32> to vector<1xf32>
    %reduce_sum3A_463 = vector.shape_cast %reduce_sum3A_462 : vector<1xf32> to vector<1x1x1xf32>
    %reduce_sum3A_464 = vector.extract %reduce_sum3A_463[0, 0, 0] : f32 from vector<1x1x1xf32>
    %add3A_465 = arith.constant 0.000000e+00 : f32
    %add3A_466 = arith.addf %add3A_465, %reduce_sum3A_464 : f32
    %slice3A_467 = vector.extract_strided_slice %mul3A_8 {offsets = [0, 256], sizes = [32, 256], strides = [1, 1]} : vector<32x1024xf32> to vector<32x256xf32>
    %slice3A_468 = vector.extract_strided_slice %broadcast_in_dim3A {offsets = [0, 256], sizes = [1, 256], strides = [1, 1]} : vector<1x1024xf32> to vector<1x256xf32>
    %broadcast_in_dim3A_469 = arith.constant 0x7F800000 : f32
    %broadcast_in_dim3A_470 = vector.broadcast %broadcast_in_dim3A_469 : f32 to vector<128x256xf32>
    %broadcast_in_dim3A_471 = arith.constant 0 : i32
    %broadcast_in_dim3A_472 = vector.broadcast %broadcast_in_dim3A_471 : i32 to vector<128x256xi32>
    %get3A_473 = arith.constant 0 : index
    %get3A_474 = arith.constant 0 : index
    %get3A_475 = vector.load %arg2[%get3A_473, %get3A_474] : memref<8192x32xf32, #tpu.memory_space<vmem>>, vector<2048x32xf32>
    %slice3A_476 = vector.extract_strided_slice %broadcast_in_dim3A_18 {offsets = [0, 0], sizes = [2048, 1], strides = [1, 1]} : vector<8192x1xf32> to vector<2048x1xf32>
    %dot_general3A_477 = arith.constant dense<0.000000e+00> : vector<2048x256xf32>
    %dot_general3A_478 = tpu.matmul %get3A_475, %slice3A_467, %dot_general3A_477 {dimension_numbers = #tpu.dot_dimension_numbers<[1], [0], [0], [1], [0, 0, 1, 1], [], []>, transpose_lhs_hint = false} : vector<2048x32xf32>, vector<32x256xf32>, vector<2048x256xf32> -> vector<2048x256xf32>
    %add3A_479 = vector.broadcast %slice3A_468 : vector<1x256xf32> to vector<2048x256xf32>
    %add3A_480 = vector.broadcast %slice3A_476 : vector<2048x1xf32> to vector<2048x256xf32>
    %add3A_481 = arith.addf %add3A_479, %add3A_480 : vector<2048x256xf32>
    %add3A_482 = arith.addf %add3A_481, %dot_general3A_478 : vector<2048x256xf32>
    %slice3A_483 = vector.extract_strided_slice %add3A_482 {offsets = [0, 0], sizes = [128, 256], strides = [1, 1]} : vector<2048x256xf32> to vector<128x256xf32>
    %lt3A_484 = arith.cmpf olt, %slice3A_483, %broadcast_in_dim3A_470 : vector<128x256xf32>
    %min3A_485 = arith.minimumf %slice3A_483, %broadcast_in_dim3A_470 : vector<128x256xf32>
    %jit3A_486 = arith.constant 0 : i32
    %broadcast_in_dim3A_487 = vector.broadcast %jit3A_486 : i32 to vector<128x256xi32>
    %select_n3A_488 = arith.select %lt3A_484, %broadcast_in_dim3A_487, %broadcast_in_dim3A_472 : vector<128x256xi1>, vector<128x256xi32>
    %slice3A_489 = vector.extract_strided_slice %add3A_482 {offsets = [128, 0], sizes = [128, 256], strides = [1, 1]} : vector<2048x256xf32> to vector<128x256xf32>
    %lt3A_490 = arith.cmpf olt, %slice3A_489, %min3A_485 : vector<128x256xf32>
    %min3A_491 = arith.minimumf %slice3A_489, %min3A_485 : vector<128x256xf32>
    %jit3A_492 = arith.constant 1 : i32
    %broadcast_in_dim3A_493 = vector.broadcast %jit3A_492 : i32 to vector<128x256xi32>
    %select_n3A_494 = arith.select %lt3A_490, %broadcast_in_dim3A_493, %select_n3A_488 : vector<128x256xi1>, vector<128x256xi32>
    %slice3A_495 = vector.extract_strided_slice %add3A_482 {offsets = [256, 0], sizes = [128, 256], strides = [1, 1]} : vector<2048x256xf32> to vector<128x256xf32>
    %lt3A_496 = arith.cmpf olt, %slice3A_495, %min3A_491 : vector<128x256xf32>
    %min3A_497 = arith.minimumf %slice3A_495, %min3A_491 : vector<128x256xf32>
    %jit3A_498 = arith.constant 2 : i32
    %broadcast_in_dim3A_499 = vector.broadcast %jit3A_498 : i32 to vector<128x256xi32>
    %select_n3A_500 = arith.select %lt3A_496, %broadcast_in_dim3A_499, %select_n3A_494 : vector<128x256xi1>, vector<128x256xi32>
    %slice3A_501 = vector.extract_strided_slice %add3A_482 {offsets = [384, 0], sizes = [128, 256], strides = [1, 1]} : vector<2048x256xf32> to vector<128x256xf32>
    %lt3A_502 = arith.cmpf olt, %slice3A_501, %min3A_497 : vector<128x256xf32>
    %min3A_503 = arith.minimumf %slice3A_501, %min3A_497 : vector<128x256xf32>
    %jit3A_504 = arith.constant 3 : i32
    %broadcast_in_dim3A_505 = vector.broadcast %jit3A_504 : i32 to vector<128x256xi32>
    %select_n3A_506 = arith.select %lt3A_502, %broadcast_in_dim3A_505, %select_n3A_500 : vector<128x256xi1>, vector<128x256xi32>
    %slice3A_507 = vector.extract_strided_slice %add3A_482 {offsets = [512, 0], sizes = [128, 256], strides = [1, 1]} : vector<2048x256xf32> to vector<128x256xf32>
    %lt3A_508 = arith.cmpf olt, %slice3A_507, %min3A_503 : vector<128x256xf32>
    %min3A_509 = arith.minimumf %slice3A_507, %min3A_503 : vector<128x256xf32>
    %jit3A_510 = arith.constant 4 : i32
    %broadcast_in_dim3A_511 = vector.broadcast %jit3A_510 : i32 to vector<128x256xi32>
    %select_n3A_512 = arith.select %lt3A_508, %broadcast_in_dim3A_511, %select_n3A_506 : vector<128x256xi1>, vector<128x256xi32>
    %slice3A_513 = vector.extract_strided_slice %add3A_482 {offsets = [640, 0], sizes = [128, 256], strides = [1, 1]} : vector<2048x256xf32> to vector<128x256xf32>
    %lt3A_514 = arith.cmpf olt, %slice3A_513, %min3A_509 : vector<128x256xf32>
    %min3A_515 = arith.minimumf %slice3A_513, %min3A_509 : vector<128x256xf32>
    %jit3A_516 = arith.constant 5 : i32
    %broadcast_in_dim3A_517 = vector.broadcast %jit3A_516 : i32 to vector<128x256xi32>
    %select_n3A_518 = arith.select %lt3A_514, %broadcast_in_dim3A_517, %select_n3A_512 : vector<128x256xi1>, vector<128x256xi32>
    %slice3A_519 = vector.extract_strided_slice %add3A_482 {offsets = [768, 0], sizes = [128, 256], strides = [1, 1]} : vector<2048x256xf32> to vector<128x256xf32>
    %lt3A_520 = arith.cmpf olt, %slice3A_519, %min3A_515 : vector<128x256xf32>
    %min3A_521 = arith.minimumf %slice3A_519, %min3A_515 : vector<128x256xf32>
    %jit3A_522 = arith.constant 6 : i32
    %broadcast_in_dim3A_523 = vector.broadcast %jit3A_522 : i32 to vector<128x256xi32>
    %select_n3A_524 = arith.select %lt3A_520, %broadcast_in_dim3A_523, %select_n3A_518 : vector<128x256xi1>, vector<128x256xi32>
    %slice3A_525 = vector.extract_strided_slice %add3A_482 {offsets = [896, 0], sizes = [128, 256], strides = [1, 1]} : vector<2048x256xf32> to vector<128x256xf32>
    %lt3A_526 = arith.cmpf olt, %slice3A_525, %min3A_521 : vector<128x256xf32>
    %min3A_527 = arith.minimumf %slice3A_525, %min3A_521 : vector<128x256xf32>
    %jit3A_528 = arith.constant 7 : i32
    %broadcast_in_dim3A_529 = vector.broadcast %jit3A_528 : i32 to vector<128x256xi32>
    %select_n3A_530 = arith.select %lt3A_526, %broadcast_in_dim3A_529, %select_n3A_524 : vector<128x256xi1>, vector<128x256xi32>
    %slice3A_531 = vector.extract_strided_slice %add3A_482 {offsets = [1024, 0], sizes = [128, 256], strides = [1, 1]} : vector<2048x256xf32> to vector<128x256xf32>
    %lt3A_532 = arith.cmpf olt, %slice3A_531, %min3A_527 : vector<128x256xf32>
    %min3A_533 = arith.minimumf %slice3A_531, %min3A_527 : vector<128x256xf32>
    %jit3A_534 = arith.constant 8 : i32
    %broadcast_in_dim3A_535 = vector.broadcast %jit3A_534 : i32 to vector<128x256xi32>
    %select_n3A_536 = arith.select %lt3A_532, %broadcast_in_dim3A_535, %select_n3A_530 : vector<128x256xi1>, vector<128x256xi32>
    %slice3A_537 = vector.extract_strided_slice %add3A_482 {offsets = [1152, 0], sizes = [128, 256], strides = [1, 1]} : vector<2048x256xf32> to vector<128x256xf32>
    %lt3A_538 = arith.cmpf olt, %slice3A_537, %min3A_533 : vector<128x256xf32>
    %min3A_539 = arith.minimumf %slice3A_537, %min3A_533 : vector<128x256xf32>
    %jit3A_540 = arith.constant 9 : i32
    %broadcast_in_dim3A_541 = vector.broadcast %jit3A_540 : i32 to vector<128x256xi32>
    %select_n3A_542 = arith.select %lt3A_538, %broadcast_in_dim3A_541, %select_n3A_536 : vector<128x256xi1>, vector<128x256xi32>
    %slice3A_543 = vector.extract_strided_slice %add3A_482 {offsets = [1280, 0], sizes = [128, 256], strides = [1, 1]} : vector<2048x256xf32> to vector<128x256xf32>
    %lt3A_544 = arith.cmpf olt, %slice3A_543, %min3A_539 : vector<128x256xf32>
    %min3A_545 = arith.minimumf %slice3A_543, %min3A_539 : vector<128x256xf32>
    %jit3A_546 = arith.constant 10 : i32
    %broadcast_in_dim3A_547 = vector.broadcast %jit3A_546 : i32 to vector<128x256xi32>
    %select_n3A_548 = arith.select %lt3A_544, %broadcast_in_dim3A_547, %select_n3A_542 : vector<128x256xi1>, vector<128x256xi32>
    %slice3A_549 = vector.extract_strided_slice %add3A_482 {offsets = [1408, 0], sizes = [128, 256], strides = [1, 1]} : vector<2048x256xf32> to vector<128x256xf32>
    %lt3A_550 = arith.cmpf olt, %slice3A_549, %min3A_545 : vector<128x256xf32>
    %min3A_551 = arith.minimumf %slice3A_549, %min3A_545 : vector<128x256xf32>
    %jit3A_552 = arith.constant 11 : i32
    %broadcast_in_dim3A_553 = vector.broadcast %jit3A_552 : i32 to vector<128x256xi32>
    %select_n3A_554 = arith.select %lt3A_550, %broadcast_in_dim3A_553, %select_n3A_548 : vector<128x256xi1>, vector<128x256xi32>
    %slice3A_555 = vector.extract_strided_slice %add3A_482 {offsets = [1536, 0], sizes = [128, 256], strides = [1, 1]} : vector<2048x256xf32> to vector<128x256xf32>
    %lt3A_556 = arith.cmpf olt, %slice3A_555, %min3A_551 : vector<128x256xf32>
    %min3A_557 = arith.minimumf %slice3A_555, %min3A_551 : vector<128x256xf32>
    %jit3A_558 = arith.constant 12 : i32
    %broadcast_in_dim3A_559 = vector.broadcast %jit3A_558 : i32 to vector<128x256xi32>
    %select_n3A_560 = arith.select %lt3A_556, %broadcast_in_dim3A_559, %select_n3A_554 : vector<128x256xi1>, vector<128x256xi32>
    %slice3A_561 = vector.extract_strided_slice %add3A_482 {offsets = [1664, 0], sizes = [128, 256], strides = [1, 1]} : vector<2048x256xf32> to vector<128x256xf32>
    %lt3A_562 = arith.cmpf olt, %slice3A_561, %min3A_557 : vector<128x256xf32>
    %min3A_563 = arith.minimumf %slice3A_561, %min3A_557 : vector<128x256xf32>
    %jit3A_564 = arith.constant 13 : i32
    %broadcast_in_dim3A_565 = vector.broadcast %jit3A_564 : i32 to vector<128x256xi32>
    %select_n3A_566 = arith.select %lt3A_562, %broadcast_in_dim3A_565, %select_n3A_560 : vector<128x256xi1>, vector<128x256xi32>
    %slice3A_567 = vector.extract_strided_slice %add3A_482 {offsets = [1792, 0], sizes = [128, 256], strides = [1, 1]} : vector<2048x256xf32> to vector<128x256xf32>
    %lt3A_568 = arith.cmpf olt, %slice3A_567, %min3A_563 : vector<128x256xf32>
    %min3A_569 = arith.minimumf %slice3A_567, %min3A_563 : vector<128x256xf32>
    %jit3A_570 = arith.constant 14 : i32
    %broadcast_in_dim3A_571 = vector.broadcast %jit3A_570 : i32 to vector<128x256xi32>
    %select_n3A_572 = arith.select %lt3A_568, %broadcast_in_dim3A_571, %select_n3A_566 : vector<128x256xi1>, vector<128x256xi32>
    %slice3A_573 = vector.extract_strided_slice %add3A_482 {offsets = [1920, 0], sizes = [128, 256], strides = [1, 1]} : vector<2048x256xf32> to vector<128x256xf32>
    %lt3A_574 = arith.cmpf olt, %slice3A_573, %min3A_569 : vector<128x256xf32>
    %min3A_575 = arith.minimumf %slice3A_573, %min3A_569 : vector<128x256xf32>
    %jit3A_576 = arith.constant 15 : i32
    %broadcast_in_dim3A_577 = vector.broadcast %jit3A_576 : i32 to vector<128x256xi32>
    %select_n3A_578 = arith.select %lt3A_574, %broadcast_in_dim3A_577, %select_n3A_572 : vector<128x256xi1>, vector<128x256xi32>
    %get3A_579 = arith.constant 2048 : index
    %get3A_580 = arith.constant 0 : index
    %get3A_581 = vector.load %arg2[%get3A_579, %get3A_580] : memref<8192x32xf32, #tpu.memory_space<vmem>>, vector<2048x32xf32>
    %slice3A_582 = vector.extract_strided_slice %broadcast_in_dim3A_18 {offsets = [2048, 0], sizes = [2048, 1], strides = [1, 1]} : vector<8192x1xf32> to vector<2048x1xf32>
    %dot_general3A_583 = arith.constant dense<0.000000e+00> : vector<2048x256xf32>
    %dot_general3A_584 = tpu.matmul %get3A_581, %slice3A_467, %dot_general3A_583 {dimension_numbers = #tpu.dot_dimension_numbers<[1], [0], [0], [1], [0, 0, 1, 1], [], []>, transpose_lhs_hint = false} : vector<2048x32xf32>, vector<32x256xf32>, vector<2048x256xf32> -> vector<2048x256xf32>
    %add3A_585 = vector.broadcast %slice3A_468 : vector<1x256xf32> to vector<2048x256xf32>
    %add3A_586 = vector.broadcast %slice3A_582 : vector<2048x1xf32> to vector<2048x256xf32>
    %add3A_587 = arith.addf %add3A_585, %add3A_586 : vector<2048x256xf32>
    %add3A_588 = arith.addf %add3A_587, %dot_general3A_584 : vector<2048x256xf32>
    %slice3A_589 = vector.extract_strided_slice %add3A_588 {offsets = [0, 0], sizes = [128, 256], strides = [1, 1]} : vector<2048x256xf32> to vector<128x256xf32>
    %lt3A_590 = arith.cmpf olt, %slice3A_589, %min3A_575 : vector<128x256xf32>
    %min3A_591 = arith.minimumf %slice3A_589, %min3A_575 : vector<128x256xf32>
    %jit3A_592 = arith.constant 16 : i32
    %broadcast_in_dim3A_593 = vector.broadcast %jit3A_592 : i32 to vector<128x256xi32>
    %select_n3A_594 = arith.select %lt3A_590, %broadcast_in_dim3A_593, %select_n3A_578 : vector<128x256xi1>, vector<128x256xi32>
    %slice3A_595 = vector.extract_strided_slice %add3A_588 {offsets = [128, 0], sizes = [128, 256], strides = [1, 1]} : vector<2048x256xf32> to vector<128x256xf32>
    %lt3A_596 = arith.cmpf olt, %slice3A_595, %min3A_591 : vector<128x256xf32>
    %min3A_597 = arith.minimumf %slice3A_595, %min3A_591 : vector<128x256xf32>
    %jit3A_598 = arith.constant 17 : i32
    %broadcast_in_dim3A_599 = vector.broadcast %jit3A_598 : i32 to vector<128x256xi32>
    %select_n3A_600 = arith.select %lt3A_596, %broadcast_in_dim3A_599, %select_n3A_594 : vector<128x256xi1>, vector<128x256xi32>
    %slice3A_601 = vector.extract_strided_slice %add3A_588 {offsets = [256, 0], sizes = [128, 256], strides = [1, 1]} : vector<2048x256xf32> to vector<128x256xf32>
    %lt3A_602 = arith.cmpf olt, %slice3A_601, %min3A_597 : vector<128x256xf32>
    %min3A_603 = arith.minimumf %slice3A_601, %min3A_597 : vector<128x256xf32>
    %jit3A_604 = arith.constant 18 : i32
    %broadcast_in_dim3A_605 = vector.broadcast %jit3A_604 : i32 to vector<128x256xi32>
    %select_n3A_606 = arith.select %lt3A_602, %broadcast_in_dim3A_605, %select_n3A_600 : vector<128x256xi1>, vector<128x256xi32>
    %slice3A_607 = vector.extract_strided_slice %add3A_588 {offsets = [384, 0], sizes = [128, 256], strides = [1, 1]} : vector<2048x256xf32> to vector<128x256xf32>
    %lt3A_608 = arith.cmpf olt, %slice3A_607, %min3A_603 : vector<128x256xf32>
    %min3A_609 = arith.minimumf %slice3A_607, %min3A_603 : vector<128x256xf32>
    %jit3A_610 = arith.constant 19 : i32
    %broadcast_in_dim3A_611 = vector.broadcast %jit3A_610 : i32 to vector<128x256xi32>
    %select_n3A_612 = arith.select %lt3A_608, %broadcast_in_dim3A_611, %select_n3A_606 : vector<128x256xi1>, vector<128x256xi32>
    %slice3A_613 = vector.extract_strided_slice %add3A_588 {offsets = [512, 0], sizes = [128, 256], strides = [1, 1]} : vector<2048x256xf32> to vector<128x256xf32>
    %lt3A_614 = arith.cmpf olt, %slice3A_613, %min3A_609 : vector<128x256xf32>
    %min3A_615 = arith.minimumf %slice3A_613, %min3A_609 : vector<128x256xf32>
    %jit3A_616 = arith.constant 20 : i32
    %broadcast_in_dim3A_617 = vector.broadcast %jit3A_616 : i32 to vector<128x256xi32>
    %select_n3A_618 = arith.select %lt3A_614, %broadcast_in_dim3A_617, %select_n3A_612 : vector<128x256xi1>, vector<128x256xi32>
    %slice3A_619 = vector.extract_strided_slice %add3A_588 {offsets = [640, 0], sizes = [128, 256], strides = [1, 1]} : vector<2048x256xf32> to vector<128x256xf32>
    %lt3A_620 = arith.cmpf olt, %slice3A_619, %min3A_615 : vector<128x256xf32>
    %min3A_621 = arith.minimumf %slice3A_619, %min3A_615 : vector<128x256xf32>
    %jit3A_622 = arith.constant 21 : i32
    %broadcast_in_dim3A_623 = vector.broadcast %jit3A_622 : i32 to vector<128x256xi32>
    %select_n3A_624 = arith.select %lt3A_620, %broadcast_in_dim3A_623, %select_n3A_618 : vector<128x256xi1>, vector<128x256xi32>
    %slice3A_625 = vector.extract_strided_slice %add3A_588 {offsets = [768, 0], sizes = [128, 256], strides = [1, 1]} : vector<2048x256xf32> to vector<128x256xf32>
    %lt3A_626 = arith.cmpf olt, %slice3A_625, %min3A_621 : vector<128x256xf32>
    %min3A_627 = arith.minimumf %slice3A_625, %min3A_621 : vector<128x256xf32>
    %jit3A_628 = arith.constant 22 : i32
    %broadcast_in_dim3A_629 = vector.broadcast %jit3A_628 : i32 to vector<128x256xi32>
    %select_n3A_630 = arith.select %lt3A_626, %broadcast_in_dim3A_629, %select_n3A_624 : vector<128x256xi1>, vector<128x256xi32>
    %slice3A_631 = vector.extract_strided_slice %add3A_588 {offsets = [896, 0], sizes = [128, 256], strides = [1, 1]} : vector<2048x256xf32> to vector<128x256xf32>
    %lt3A_632 = arith.cmpf olt, %slice3A_631, %min3A_627 : vector<128x256xf32>
    %min3A_633 = arith.minimumf %slice3A_631, %min3A_627 : vector<128x256xf32>
    %jit3A_634 = arith.constant 23 : i32
    %broadcast_in_dim3A_635 = vector.broadcast %jit3A_634 : i32 to vector<128x256xi32>
    %select_n3A_636 = arith.select %lt3A_632, %broadcast_in_dim3A_635, %select_n3A_630 : vector<128x256xi1>, vector<128x256xi32>
    %slice3A_637 = vector.extract_strided_slice %add3A_588 {offsets = [1024, 0], sizes = [128, 256], strides = [1, 1]} : vector<2048x256xf32> to vector<128x256xf32>
    %lt3A_638 = arith.cmpf olt, %slice3A_637, %min3A_633 : vector<128x256xf32>
    %min3A_639 = arith.minimumf %slice3A_637, %min3A_633 : vector<128x256xf32>
    %jit3A_640 = arith.constant 24 : i32
    %broadcast_in_dim3A_641 = vector.broadcast %jit3A_640 : i32 to vector<128x256xi32>
    %select_n3A_642 = arith.select %lt3A_638, %broadcast_in_dim3A_641, %select_n3A_636 : vector<128x256xi1>, vector<128x256xi32>
    %slice3A_643 = vector.extract_strided_slice %add3A_588 {offsets = [1152, 0], sizes = [128, 256], strides = [1, 1]} : vector<2048x256xf32> to vector<128x256xf32>
    %lt3A_644 = arith.cmpf olt, %slice3A_643, %min3A_639 : vector<128x256xf32>
    %min3A_645 = arith.minimumf %slice3A_643, %min3A_639 : vector<128x256xf32>
    %jit3A_646 = arith.constant 25 : i32
    %broadcast_in_dim3A_647 = vector.broadcast %jit3A_646 : i32 to vector<128x256xi32>
    %select_n3A_648 = arith.select %lt3A_644, %broadcast_in_dim3A_647, %select_n3A_642 : vector<128x256xi1>, vector<128x256xi32>
    %slice3A_649 = vector.extract_strided_slice %add3A_588 {offsets = [1280, 0], sizes = [128, 256], strides = [1, 1]} : vector<2048x256xf32> to vector<128x256xf32>
    %lt3A_650 = arith.cmpf olt, %slice3A_649, %min3A_645 : vector<128x256xf32>
    %min3A_651 = arith.minimumf %slice3A_649, %min3A_645 : vector<128x256xf32>
    %jit3A_652 = arith.constant 26 : i32
    %broadcast_in_dim3A_653 = vector.broadcast %jit3A_652 : i32 to vector<128x256xi32>
    %select_n3A_654 = arith.select %lt3A_650, %broadcast_in_dim3A_653, %select_n3A_648 : vector<128x256xi1>, vector<128x256xi32>
    %slice3A_655 = vector.extract_strided_slice %add3A_588 {offsets = [1408, 0], sizes = [128, 256], strides = [1, 1]} : vector<2048x256xf32> to vector<128x256xf32>
    %lt3A_656 = arith.cmpf olt, %slice3A_655, %min3A_651 : vector<128x256xf32>
    %min3A_657 = arith.minimumf %slice3A_655, %min3A_651 : vector<128x256xf32>
    %jit3A_658 = arith.constant 27 : i32
    %broadcast_in_dim3A_659 = vector.broadcast %jit3A_658 : i32 to vector<128x256xi32>
    %select_n3A_660 = arith.select %lt3A_656, %broadcast_in_dim3A_659, %select_n3A_654 : vector<128x256xi1>, vector<128x256xi32>
    %slice3A_661 = vector.extract_strided_slice %add3A_588 {offsets = [1536, 0], sizes = [128, 256], strides = [1, 1]} : vector<2048x256xf32> to vector<128x256xf32>
    %lt3A_662 = arith.cmpf olt, %slice3A_661, %min3A_657 : vector<128x256xf32>
    %min3A_663 = arith.minimumf %slice3A_661, %min3A_657 : vector<128x256xf32>
    %jit3A_664 = arith.constant 28 : i32
    %broadcast_in_dim3A_665 = vector.broadcast %jit3A_664 : i32 to vector<128x256xi32>
    %select_n3A_666 = arith.select %lt3A_662, %broadcast_in_dim3A_665, %select_n3A_660 : vector<128x256xi1>, vector<128x256xi32>
    %slice3A_667 = vector.extract_strided_slice %add3A_588 {offsets = [1664, 0], sizes = [128, 256], strides = [1, 1]} : vector<2048x256xf32> to vector<128x256xf32>
    %lt3A_668 = arith.cmpf olt, %slice3A_667, %min3A_663 : vector<128x256xf32>
    %min3A_669 = arith.minimumf %slice3A_667, %min3A_663 : vector<128x256xf32>
    %jit3A_670 = arith.constant 29 : i32
    %broadcast_in_dim3A_671 = vector.broadcast %jit3A_670 : i32 to vector<128x256xi32>
    %select_n3A_672 = arith.select %lt3A_668, %broadcast_in_dim3A_671, %select_n3A_666 : vector<128x256xi1>, vector<128x256xi32>
    %slice3A_673 = vector.extract_strided_slice %add3A_588 {offsets = [1792, 0], sizes = [128, 256], strides = [1, 1]} : vector<2048x256xf32> to vector<128x256xf32>
    %lt3A_674 = arith.cmpf olt, %slice3A_673, %min3A_669 : vector<128x256xf32>
    %min3A_675 = arith.minimumf %slice3A_673, %min3A_669 : vector<128x256xf32>
    %jit3A_676 = arith.constant 30 : i32
    %broadcast_in_dim3A_677 = vector.broadcast %jit3A_676 : i32 to vector<128x256xi32>
    %select_n3A_678 = arith.select %lt3A_674, %broadcast_in_dim3A_677, %select_n3A_672 : vector<128x256xi1>, vector<128x256xi32>
    %slice3A_679 = vector.extract_strided_slice %add3A_588 {offsets = [1920, 0], sizes = [128, 256], strides = [1, 1]} : vector<2048x256xf32> to vector<128x256xf32>
    %lt3A_680 = arith.cmpf olt, %slice3A_679, %min3A_675 : vector<128x256xf32>
    %min3A_681 = arith.minimumf %slice3A_679, %min3A_675 : vector<128x256xf32>
    %jit3A_682 = arith.constant 31 : i32
    %broadcast_in_dim3A_683 = vector.broadcast %jit3A_682 : i32 to vector<128x256xi32>
    %select_n3A_684 = arith.select %lt3A_680, %broadcast_in_dim3A_683, %select_n3A_678 : vector<128x256xi1>, vector<128x256xi32>
    %get3A_685 = arith.constant 4096 : index
    %get3A_686 = arith.constant 0 : index
    %get3A_687 = vector.load %arg2[%get3A_685, %get3A_686] : memref<8192x32xf32, #tpu.memory_space<vmem>>, vector<2048x32xf32>
    %slice3A_688 = vector.extract_strided_slice %broadcast_in_dim3A_18 {offsets = [4096, 0], sizes = [2048, 1], strides = [1, 1]} : vector<8192x1xf32> to vector<2048x1xf32>
    %dot_general3A_689 = arith.constant dense<0.000000e+00> : vector<2048x256xf32>
    %dot_general3A_690 = tpu.matmul %get3A_687, %slice3A_467, %dot_general3A_689 {dimension_numbers = #tpu.dot_dimension_numbers<[1], [0], [0], [1], [0, 0, 1, 1], [], []>, transpose_lhs_hint = false} : vector<2048x32xf32>, vector<32x256xf32>, vector<2048x256xf32> -> vector<2048x256xf32>
    %add3A_691 = vector.broadcast %slice3A_468 : vector<1x256xf32> to vector<2048x256xf32>
    %add3A_692 = vector.broadcast %slice3A_688 : vector<2048x1xf32> to vector<2048x256xf32>
    %add3A_693 = arith.addf %add3A_691, %add3A_692 : vector<2048x256xf32>
    %add3A_694 = arith.addf %add3A_693, %dot_general3A_690 : vector<2048x256xf32>
    %slice3A_695 = vector.extract_strided_slice %add3A_694 {offsets = [0, 0], sizes = [128, 256], strides = [1, 1]} : vector<2048x256xf32> to vector<128x256xf32>
    %lt3A_696 = arith.cmpf olt, %slice3A_695, %min3A_681 : vector<128x256xf32>
    %min3A_697 = arith.minimumf %slice3A_695, %min3A_681 : vector<128x256xf32>
    %jit3A_698 = arith.constant 32 : i32
    %broadcast_in_dim3A_699 = vector.broadcast %jit3A_698 : i32 to vector<128x256xi32>
    %select_n3A_700 = arith.select %lt3A_696, %broadcast_in_dim3A_699, %select_n3A_684 : vector<128x256xi1>, vector<128x256xi32>
    %slice3A_701 = vector.extract_strided_slice %add3A_694 {offsets = [128, 0], sizes = [128, 256], strides = [1, 1]} : vector<2048x256xf32> to vector<128x256xf32>
    %lt3A_702 = arith.cmpf olt, %slice3A_701, %min3A_697 : vector<128x256xf32>
    %min3A_703 = arith.minimumf %slice3A_701, %min3A_697 : vector<128x256xf32>
    %jit3A_704 = arith.constant 33 : i32
    %broadcast_in_dim3A_705 = vector.broadcast %jit3A_704 : i32 to vector<128x256xi32>
    %select_n3A_706 = arith.select %lt3A_702, %broadcast_in_dim3A_705, %select_n3A_700 : vector<128x256xi1>, vector<128x256xi32>
    %slice3A_707 = vector.extract_strided_slice %add3A_694 {offsets = [256, 0], sizes = [128, 256], strides = [1, 1]} : vector<2048x256xf32> to vector<128x256xf32>
    %lt3A_708 = arith.cmpf olt, %slice3A_707, %min3A_703 : vector<128x256xf32>
    %min3A_709 = arith.minimumf %slice3A_707, %min3A_703 : vector<128x256xf32>
    %jit3A_710 = arith.constant 34 : i32
    %broadcast_in_dim3A_711 = vector.broadcast %jit3A_710 : i32 to vector<128x256xi32>
    %select_n3A_712 = arith.select %lt3A_708, %broadcast_in_dim3A_711, %select_n3A_706 : vector<128x256xi1>, vector<128x256xi32>
    %slice3A_713 = vector.extract_strided_slice %add3A_694 {offsets = [384, 0], sizes = [128, 256], strides = [1, 1]} : vector<2048x256xf32> to vector<128x256xf32>
    %lt3A_714 = arith.cmpf olt, %slice3A_713, %min3A_709 : vector<128x256xf32>
    %min3A_715 = arith.minimumf %slice3A_713, %min3A_709 : vector<128x256xf32>
    %jit3A_716 = arith.constant 35 : i32
    %broadcast_in_dim3A_717 = vector.broadcast %jit3A_716 : i32 to vector<128x256xi32>
    %select_n3A_718 = arith.select %lt3A_714, %broadcast_in_dim3A_717, %select_n3A_712 : vector<128x256xi1>, vector<128x256xi32>
    %slice3A_719 = vector.extract_strided_slice %add3A_694 {offsets = [512, 0], sizes = [128, 256], strides = [1, 1]} : vector<2048x256xf32> to vector<128x256xf32>
    %lt3A_720 = arith.cmpf olt, %slice3A_719, %min3A_715 : vector<128x256xf32>
    %min3A_721 = arith.minimumf %slice3A_719, %min3A_715 : vector<128x256xf32>
    %jit3A_722 = arith.constant 36 : i32
    %broadcast_in_dim3A_723 = vector.broadcast %jit3A_722 : i32 to vector<128x256xi32>
    %select_n3A_724 = arith.select %lt3A_720, %broadcast_in_dim3A_723, %select_n3A_718 : vector<128x256xi1>, vector<128x256xi32>
    %slice3A_725 = vector.extract_strided_slice %add3A_694 {offsets = [640, 0], sizes = [128, 256], strides = [1, 1]} : vector<2048x256xf32> to vector<128x256xf32>
    %lt3A_726 = arith.cmpf olt, %slice3A_725, %min3A_721 : vector<128x256xf32>
    %min3A_727 = arith.minimumf %slice3A_725, %min3A_721 : vector<128x256xf32>
    %jit3A_728 = arith.constant 37 : i32
    %broadcast_in_dim3A_729 = vector.broadcast %jit3A_728 : i32 to vector<128x256xi32>
    %select_n3A_730 = arith.select %lt3A_726, %broadcast_in_dim3A_729, %select_n3A_724 : vector<128x256xi1>, vector<128x256xi32>
    %slice3A_731 = vector.extract_strided_slice %add3A_694 {offsets = [768, 0], sizes = [128, 256], strides = [1, 1]} : vector<2048x256xf32> to vector<128x256xf32>
    %lt3A_732 = arith.cmpf olt, %slice3A_731, %min3A_727 : vector<128x256xf32>
    %min3A_733 = arith.minimumf %slice3A_731, %min3A_727 : vector<128x256xf32>
    %jit3A_734 = arith.constant 38 : i32
    %broadcast_in_dim3A_735 = vector.broadcast %jit3A_734 : i32 to vector<128x256xi32>
    %select_n3A_736 = arith.select %lt3A_732, %broadcast_in_dim3A_735, %select_n3A_730 : vector<128x256xi1>, vector<128x256xi32>
    %slice3A_737 = vector.extract_strided_slice %add3A_694 {offsets = [896, 0], sizes = [128, 256], strides = [1, 1]} : vector<2048x256xf32> to vector<128x256xf32>
    %lt3A_738 = arith.cmpf olt, %slice3A_737, %min3A_733 : vector<128x256xf32>
    %min3A_739 = arith.minimumf %slice3A_737, %min3A_733 : vector<128x256xf32>
    %jit3A_740 = arith.constant 39 : i32
    %broadcast_in_dim3A_741 = vector.broadcast %jit3A_740 : i32 to vector<128x256xi32>
    %select_n3A_742 = arith.select %lt3A_738, %broadcast_in_dim3A_741, %select_n3A_736 : vector<128x256xi1>, vector<128x256xi32>
    %slice3A_743 = vector.extract_strided_slice %add3A_694 {offsets = [1024, 0], sizes = [128, 256], strides = [1, 1]} : vector<2048x256xf32> to vector<128x256xf32>
    %lt3A_744 = arith.cmpf olt, %slice3A_743, %min3A_739 : vector<128x256xf32>
    %min3A_745 = arith.minimumf %slice3A_743, %min3A_739 : vector<128x256xf32>
    %jit3A_746 = arith.constant 40 : i32
    %broadcast_in_dim3A_747 = vector.broadcast %jit3A_746 : i32 to vector<128x256xi32>
    %select_n3A_748 = arith.select %lt3A_744, %broadcast_in_dim3A_747, %select_n3A_742 : vector<128x256xi1>, vector<128x256xi32>
    %slice3A_749 = vector.extract_strided_slice %add3A_694 {offsets = [1152, 0], sizes = [128, 256], strides = [1, 1]} : vector<2048x256xf32> to vector<128x256xf32>
    %lt3A_750 = arith.cmpf olt, %slice3A_749, %min3A_745 : vector<128x256xf32>
    %min3A_751 = arith.minimumf %slice3A_749, %min3A_745 : vector<128x256xf32>
    %jit3A_752 = arith.constant 41 : i32
    %broadcast_in_dim3A_753 = vector.broadcast %jit3A_752 : i32 to vector<128x256xi32>
    %select_n3A_754 = arith.select %lt3A_750, %broadcast_in_dim3A_753, %select_n3A_748 : vector<128x256xi1>, vector<128x256xi32>
    %slice3A_755 = vector.extract_strided_slice %add3A_694 {offsets = [1280, 0], sizes = [128, 256], strides = [1, 1]} : vector<2048x256xf32> to vector<128x256xf32>
    %lt3A_756 = arith.cmpf olt, %slice3A_755, %min3A_751 : vector<128x256xf32>
    %min3A_757 = arith.minimumf %slice3A_755, %min3A_751 : vector<128x256xf32>
    %jit3A_758 = arith.constant 42 : i32
    %broadcast_in_dim3A_759 = vector.broadcast %jit3A_758 : i32 to vector<128x256xi32>
    %select_n3A_760 = arith.select %lt3A_756, %broadcast_in_dim3A_759, %select_n3A_754 : vector<128x256xi1>, vector<128x256xi32>
    %slice3A_761 = vector.extract_strided_slice %add3A_694 {offsets = [1408, 0], sizes = [128, 256], strides = [1, 1]} : vector<2048x256xf32> to vector<128x256xf32>
    %lt3A_762 = arith.cmpf olt, %slice3A_761, %min3A_757 : vector<128x256xf32>
    %min3A_763 = arith.minimumf %slice3A_761, %min3A_757 : vector<128x256xf32>
    %jit3A_764 = arith.constant 43 : i32
    %broadcast_in_dim3A_765 = vector.broadcast %jit3A_764 : i32 to vector<128x256xi32>
    %select_n3A_766 = arith.select %lt3A_762, %broadcast_in_dim3A_765, %select_n3A_760 : vector<128x256xi1>, vector<128x256xi32>
    %slice3A_767 = vector.extract_strided_slice %add3A_694 {offsets = [1536, 0], sizes = [128, 256], strides = [1, 1]} : vector<2048x256xf32> to vector<128x256xf32>
    %lt3A_768 = arith.cmpf olt, %slice3A_767, %min3A_763 : vector<128x256xf32>
    %min3A_769 = arith.minimumf %slice3A_767, %min3A_763 : vector<128x256xf32>
    %jit3A_770 = arith.constant 44 : i32
    %broadcast_in_dim3A_771 = vector.broadcast %jit3A_770 : i32 to vector<128x256xi32>
    %select_n3A_772 = arith.select %lt3A_768, %broadcast_in_dim3A_771, %select_n3A_766 : vector<128x256xi1>, vector<128x256xi32>
    %slice3A_773 = vector.extract_strided_slice %add3A_694 {offsets = [1664, 0], sizes = [128, 256], strides = [1, 1]} : vector<2048x256xf32> to vector<128x256xf32>
    %lt3A_774 = arith.cmpf olt, %slice3A_773, %min3A_769 : vector<128x256xf32>
    %min3A_775 = arith.minimumf %slice3A_773, %min3A_769 : vector<128x256xf32>
    %jit3A_776 = arith.constant 45 : i32
    %broadcast_in_dim3A_777 = vector.broadcast %jit3A_776 : i32 to vector<128x256xi32>
    %select_n3A_778 = arith.select %lt3A_774, %broadcast_in_dim3A_777, %select_n3A_772 : vector<128x256xi1>, vector<128x256xi32>
    %slice3A_779 = vector.extract_strided_slice %add3A_694 {offsets = [1792, 0], sizes = [128, 256], strides = [1, 1]} : vector<2048x256xf32> to vector<128x256xf32>
    %lt3A_780 = arith.cmpf olt, %slice3A_779, %min3A_775 : vector<128x256xf32>
    %min3A_781 = arith.minimumf %slice3A_779, %min3A_775 : vector<128x256xf32>
    %jit3A_782 = arith.constant 46 : i32
    %broadcast_in_dim3A_783 = vector.broadcast %jit3A_782 : i32 to vector<128x256xi32>
    %select_n3A_784 = arith.select %lt3A_780, %broadcast_in_dim3A_783, %select_n3A_778 : vector<128x256xi1>, vector<128x256xi32>
    %slice3A_785 = vector.extract_strided_slice %add3A_694 {offsets = [1920, 0], sizes = [128, 256], strides = [1, 1]} : vector<2048x256xf32> to vector<128x256xf32>
    %lt3A_786 = arith.cmpf olt, %slice3A_785, %min3A_781 : vector<128x256xf32>
    %min3A_787 = arith.minimumf %slice3A_785, %min3A_781 : vector<128x256xf32>
    %jit3A_788 = arith.constant 47 : i32
    %broadcast_in_dim3A_789 = vector.broadcast %jit3A_788 : i32 to vector<128x256xi32>
    %select_n3A_790 = arith.select %lt3A_786, %broadcast_in_dim3A_789, %select_n3A_784 : vector<128x256xi1>, vector<128x256xi32>
    %get3A_791 = arith.constant 6144 : index
    %get3A_792 = arith.constant 0 : index
    %get3A_793 = vector.load %arg2[%get3A_791, %get3A_792] : memref<8192x32xf32, #tpu.memory_space<vmem>>, vector<2048x32xf32>
    %slice3A_794 = vector.extract_strided_slice %broadcast_in_dim3A_18 {offsets = [6144, 0], sizes = [2048, 1], strides = [1, 1]} : vector<8192x1xf32> to vector<2048x1xf32>
    %dot_general3A_795 = arith.constant dense<0.000000e+00> : vector<2048x256xf32>
    %dot_general3A_796 = tpu.matmul %get3A_793, %slice3A_467, %dot_general3A_795 {dimension_numbers = #tpu.dot_dimension_numbers<[1], [0], [0], [1], [0, 0, 1, 1], [], []>, transpose_lhs_hint = false} : vector<2048x32xf32>, vector<32x256xf32>, vector<2048x256xf32> -> vector<2048x256xf32>
    %add3A_797 = vector.broadcast %slice3A_468 : vector<1x256xf32> to vector<2048x256xf32>
    %add3A_798 = vector.broadcast %slice3A_794 : vector<2048x1xf32> to vector<2048x256xf32>
    %add3A_799 = arith.addf %add3A_797, %add3A_798 : vector<2048x256xf32>
    %add3A_800 = arith.addf %add3A_799, %dot_general3A_796 : vector<2048x256xf32>
    %slice3A_801 = vector.extract_strided_slice %add3A_800 {offsets = [0, 0], sizes = [128, 256], strides = [1, 1]} : vector<2048x256xf32> to vector<128x256xf32>
    %lt3A_802 = arith.cmpf olt, %slice3A_801, %min3A_787 : vector<128x256xf32>
    %min3A_803 = arith.minimumf %slice3A_801, %min3A_787 : vector<128x256xf32>
    %jit3A_804 = arith.constant 48 : i32
    %broadcast_in_dim3A_805 = vector.broadcast %jit3A_804 : i32 to vector<128x256xi32>
    %select_n3A_806 = arith.select %lt3A_802, %broadcast_in_dim3A_805, %select_n3A_790 : vector<128x256xi1>, vector<128x256xi32>
    %slice3A_807 = vector.extract_strided_slice %add3A_800 {offsets = [128, 0], sizes = [128, 256], strides = [1, 1]} : vector<2048x256xf32> to vector<128x256xf32>
    %lt3A_808 = arith.cmpf olt, %slice3A_807, %min3A_803 : vector<128x256xf32>
    %min3A_809 = arith.minimumf %slice3A_807, %min3A_803 : vector<128x256xf32>
    %jit3A_810 = arith.constant 49 : i32
    %broadcast_in_dim3A_811 = vector.broadcast %jit3A_810 : i32 to vector<128x256xi32>
    %select_n3A_812 = arith.select %lt3A_808, %broadcast_in_dim3A_811, %select_n3A_806 : vector<128x256xi1>, vector<128x256xi32>
    %slice3A_813 = vector.extract_strided_slice %add3A_800 {offsets = [256, 0], sizes = [128, 256], strides = [1, 1]} : vector<2048x256xf32> to vector<128x256xf32>
    %lt3A_814 = arith.cmpf olt, %slice3A_813, %min3A_809 : vector<128x256xf32>
    %min3A_815 = arith.minimumf %slice3A_813, %min3A_809 : vector<128x256xf32>
    %jit3A_816 = arith.constant 50 : i32
    %broadcast_in_dim3A_817 = vector.broadcast %jit3A_816 : i32 to vector<128x256xi32>
    %select_n3A_818 = arith.select %lt3A_814, %broadcast_in_dim3A_817, %select_n3A_812 : vector<128x256xi1>, vector<128x256xi32>
    %slice3A_819 = vector.extract_strided_slice %add3A_800 {offsets = [384, 0], sizes = [128, 256], strides = [1, 1]} : vector<2048x256xf32> to vector<128x256xf32>
    %lt3A_820 = arith.cmpf olt, %slice3A_819, %min3A_815 : vector<128x256xf32>
    %min3A_821 = arith.minimumf %slice3A_819, %min3A_815 : vector<128x256xf32>
    %jit3A_822 = arith.constant 51 : i32
    %broadcast_in_dim3A_823 = vector.broadcast %jit3A_822 : i32 to vector<128x256xi32>
    %select_n3A_824 = arith.select %lt3A_820, %broadcast_in_dim3A_823, %select_n3A_818 : vector<128x256xi1>, vector<128x256xi32>
    %slice3A_825 = vector.extract_strided_slice %add3A_800 {offsets = [512, 0], sizes = [128, 256], strides = [1, 1]} : vector<2048x256xf32> to vector<128x256xf32>
    %lt3A_826 = arith.cmpf olt, %slice3A_825, %min3A_821 : vector<128x256xf32>
    %min3A_827 = arith.minimumf %slice3A_825, %min3A_821 : vector<128x256xf32>
    %jit3A_828 = arith.constant 52 : i32
    %broadcast_in_dim3A_829 = vector.broadcast %jit3A_828 : i32 to vector<128x256xi32>
    %select_n3A_830 = arith.select %lt3A_826, %broadcast_in_dim3A_829, %select_n3A_824 : vector<128x256xi1>, vector<128x256xi32>
    %slice3A_831 = vector.extract_strided_slice %add3A_800 {offsets = [640, 0], sizes = [128, 256], strides = [1, 1]} : vector<2048x256xf32> to vector<128x256xf32>
    %lt3A_832 = arith.cmpf olt, %slice3A_831, %min3A_827 : vector<128x256xf32>
    %min3A_833 = arith.minimumf %slice3A_831, %min3A_827 : vector<128x256xf32>
    %jit3A_834 = arith.constant 53 : i32
    %broadcast_in_dim3A_835 = vector.broadcast %jit3A_834 : i32 to vector<128x256xi32>
    %select_n3A_836 = arith.select %lt3A_832, %broadcast_in_dim3A_835, %select_n3A_830 : vector<128x256xi1>, vector<128x256xi32>
    %slice3A_837 = vector.extract_strided_slice %add3A_800 {offsets = [768, 0], sizes = [128, 256], strides = [1, 1]} : vector<2048x256xf32> to vector<128x256xf32>
    %lt3A_838 = arith.cmpf olt, %slice3A_837, %min3A_833 : vector<128x256xf32>
    %min3A_839 = arith.minimumf %slice3A_837, %min3A_833 : vector<128x256xf32>
    %jit3A_840 = arith.constant 54 : i32
    %broadcast_in_dim3A_841 = vector.broadcast %jit3A_840 : i32 to vector<128x256xi32>
    %select_n3A_842 = arith.select %lt3A_838, %broadcast_in_dim3A_841, %select_n3A_836 : vector<128x256xi1>, vector<128x256xi32>
    %slice3A_843 = vector.extract_strided_slice %add3A_800 {offsets = [896, 0], sizes = [128, 256], strides = [1, 1]} : vector<2048x256xf32> to vector<128x256xf32>
    %lt3A_844 = arith.cmpf olt, %slice3A_843, %min3A_839 : vector<128x256xf32>
    %min3A_845 = arith.minimumf %slice3A_843, %min3A_839 : vector<128x256xf32>
    %jit3A_846 = arith.constant 55 : i32
    %broadcast_in_dim3A_847 = vector.broadcast %jit3A_846 : i32 to vector<128x256xi32>
    %select_n3A_848 = arith.select %lt3A_844, %broadcast_in_dim3A_847, %select_n3A_842 : vector<128x256xi1>, vector<128x256xi32>
    %slice3A_849 = vector.extract_strided_slice %add3A_800 {offsets = [1024, 0], sizes = [128, 256], strides = [1, 1]} : vector<2048x256xf32> to vector<128x256xf32>
    %lt3A_850 = arith.cmpf olt, %slice3A_849, %min3A_845 : vector<128x256xf32>
    %min3A_851 = arith.minimumf %slice3A_849, %min3A_845 : vector<128x256xf32>
    %jit3A_852 = arith.constant 56 : i32
    %broadcast_in_dim3A_853 = vector.broadcast %jit3A_852 : i32 to vector<128x256xi32>
    %select_n3A_854 = arith.select %lt3A_850, %broadcast_in_dim3A_853, %select_n3A_848 : vector<128x256xi1>, vector<128x256xi32>
    %slice3A_855 = vector.extract_strided_slice %add3A_800 {offsets = [1152, 0], sizes = [128, 256], strides = [1, 1]} : vector<2048x256xf32> to vector<128x256xf32>
    %lt3A_856 = arith.cmpf olt, %slice3A_855, %min3A_851 : vector<128x256xf32>
    %min3A_857 = arith.minimumf %slice3A_855, %min3A_851 : vector<128x256xf32>
    %jit3A_858 = arith.constant 57 : i32
    %broadcast_in_dim3A_859 = vector.broadcast %jit3A_858 : i32 to vector<128x256xi32>
    %select_n3A_860 = arith.select %lt3A_856, %broadcast_in_dim3A_859, %select_n3A_854 : vector<128x256xi1>, vector<128x256xi32>
    %slice3A_861 = vector.extract_strided_slice %add3A_800 {offsets = [1280, 0], sizes = [128, 256], strides = [1, 1]} : vector<2048x256xf32> to vector<128x256xf32>
    %lt3A_862 = arith.cmpf olt, %slice3A_861, %min3A_857 : vector<128x256xf32>
    %min3A_863 = arith.minimumf %slice3A_861, %min3A_857 : vector<128x256xf32>
    %jit3A_864 = arith.constant 58 : i32
    %broadcast_in_dim3A_865 = vector.broadcast %jit3A_864 : i32 to vector<128x256xi32>
    %select_n3A_866 = arith.select %lt3A_862, %broadcast_in_dim3A_865, %select_n3A_860 : vector<128x256xi1>, vector<128x256xi32>
    %slice3A_867 = vector.extract_strided_slice %add3A_800 {offsets = [1408, 0], sizes = [128, 256], strides = [1, 1]} : vector<2048x256xf32> to vector<128x256xf32>
    %lt3A_868 = arith.cmpf olt, %slice3A_867, %min3A_863 : vector<128x256xf32>
    %min3A_869 = arith.minimumf %slice3A_867, %min3A_863 : vector<128x256xf32>
    %jit3A_870 = arith.constant 59 : i32
    %broadcast_in_dim3A_871 = vector.broadcast %jit3A_870 : i32 to vector<128x256xi32>
    %select_n3A_872 = arith.select %lt3A_868, %broadcast_in_dim3A_871, %select_n3A_866 : vector<128x256xi1>, vector<128x256xi32>
    %slice3A_873 = vector.extract_strided_slice %add3A_800 {offsets = [1536, 0], sizes = [128, 256], strides = [1, 1]} : vector<2048x256xf32> to vector<128x256xf32>
    %lt3A_874 = arith.cmpf olt, %slice3A_873, %min3A_869 : vector<128x256xf32>
    %min3A_875 = arith.minimumf %slice3A_873, %min3A_869 : vector<128x256xf32>
    %jit3A_876 = arith.constant 60 : i32
    %broadcast_in_dim3A_877 = vector.broadcast %jit3A_876 : i32 to vector<128x256xi32>
    %select_n3A_878 = arith.select %lt3A_874, %broadcast_in_dim3A_877, %select_n3A_872 : vector<128x256xi1>, vector<128x256xi32>
    %slice3A_879 = vector.extract_strided_slice %add3A_800 {offsets = [1664, 0], sizes = [128, 256], strides = [1, 1]} : vector<2048x256xf32> to vector<128x256xf32>
    %lt3A_880 = arith.cmpf olt, %slice3A_879, %min3A_875 : vector<128x256xf32>
    %min3A_881 = arith.minimumf %slice3A_879, %min3A_875 : vector<128x256xf32>
    %jit3A_882 = arith.constant 61 : i32
    %broadcast_in_dim3A_883 = vector.broadcast %jit3A_882 : i32 to vector<128x256xi32>
    %select_n3A_884 = arith.select %lt3A_880, %broadcast_in_dim3A_883, %select_n3A_878 : vector<128x256xi1>, vector<128x256xi32>
    %slice3A_885 = vector.extract_strided_slice %add3A_800 {offsets = [1792, 0], sizes = [128, 256], strides = [1, 1]} : vector<2048x256xf32> to vector<128x256xf32>
    %lt3A_886 = arith.cmpf olt, %slice3A_885, %min3A_881 : vector<128x256xf32>
    %min3A_887 = arith.minimumf %slice3A_885, %min3A_881 : vector<128x256xf32>
    %jit3A_888 = arith.constant 62 : i32
    %broadcast_in_dim3A_889 = vector.broadcast %jit3A_888 : i32 to vector<128x256xi32>
    %select_n3A_890 = arith.select %lt3A_886, %broadcast_in_dim3A_889, %select_n3A_884 : vector<128x256xi1>, vector<128x256xi32>
    %slice3A_891 = vector.extract_strided_slice %add3A_800 {offsets = [1920, 0], sizes = [128, 256], strides = [1, 1]} : vector<2048x256xf32> to vector<128x256xf32>
    %lt3A_892 = arith.cmpf olt, %slice3A_891, %min3A_887 : vector<128x256xf32>
    %min3A_893 = arith.minimumf %slice3A_891, %min3A_887 : vector<128x256xf32>
    %jit3A_894 = arith.constant 63 : i32
    %broadcast_in_dim3A_895 = vector.broadcast %jit3A_894 : i32 to vector<128x256xi32>
    %select_n3A_896 = arith.select %lt3A_892, %broadcast_in_dim3A_895, %select_n3A_890 : vector<128x256xi1>, vector<128x256xi32>
    %mul3A_897 = arith.constant 128 : i32
    %mul3A_898 = vector.broadcast %mul3A_897 : i32 to vector<128x256xi32>
    %mul3A_899 = arith.muli %select_n3A_896, %mul3A_898 : vector<128x256xi32>
    %iota3A_900 = tpu.iota {dimensions = array<i32: 0>} : vector<128x256xi32>
    %add3A_901 = arith.addi %mul3A_899, %iota3A_900 : vector<128x256xi32>
    %reduce_min3A_902 = arith.constant dense<0x7F800000> : vector<256xf32>
    %reduce_min3A_903 = vector.multi_reduction <minimumf>, %min3A_893, %reduce_min3A_902 [0] : vector<128x256xf32> to vector<256xf32>
    %broadcast_in_dim3A_904 = vector.shape_cast %reduce_min3A_903 : vector<256xf32> to vector<1x256xf32>
    %eq3A_905 = vector.broadcast %broadcast_in_dim3A_904 : vector<1x256xf32> to vector<128x256xf32>
    %eq3A_906 = arith.cmpf oeq, %min3A_893, %eq3A_905 : vector<128x256xf32>
    %jit3A_907 = arith.constant 8192 : i32
    %broadcast_in_dim3A_908 = vector.broadcast %jit3A_907 : i32 to vector<128x256xi32>
    %select_n3A_909 = arith.select %eq3A_906, %add3A_901, %broadcast_in_dim3A_908 : vector<128x256xi1>, vector<128x256xi32>
    %reduce_min3A_910 = arith.constant dense<2147483647> : vector<256xi32>
    %reduce_min3A_911 = vector.multi_reduction <minsi>, %select_n3A_909, %reduce_min3A_910 [0] : vector<128x256xi32> to vector<256xi32>
    %broadcast_in_dim3A_912 = vector.shape_cast %reduce_min3A_911 : vector<256xi32> to vector<1x256xi32>
    %squeeze3A_913 = vector.shape_cast %broadcast_in_dim3A_912 : vector<1x256xi32> to vector<256xi32>
    %swap3A_914 = arith.constant 0 : index
    %swap3A_915 = arith.constant 0 : index
    %swap3A_916 = arith.constant 256 : index
    %swap3A_917 = vector.load %arg3[%swap3A_914, %swap3A_915, %swap3A_916] : memref<1x1x1024xi32, #tpu.memory_space<vmem>>, vector<1x1x256xi32>
    %swap3A_918 = vector.shape_cast %swap3A_917 : vector<1x1x256xi32> to vector<256xi32>
    %swap3A_919 = vector.shape_cast %squeeze3A_913 : vector<256xi32> to vector<1x1x256xi32>
    tpu.vector_store %arg3[%swap3A_914, %swap3A_915, %swap3A_916], %swap3A_919 {strides = array<i32>} : memref<1x1x1024xi32, #tpu.memory_space<vmem>>, vector<1x1x256xi32>,
    %reduce_sum3A_920 = vector.shape_cast %broadcast_in_dim3A_904 : vector<1x256xf32> to vector<1x1x256xf32>
    %reduce_sum3A_921 = arith.constant dense<0.000000e+00> : vector<1xf32>
    %reduce_sum3A_922 = vector.multi_reduction <add>, %reduce_sum3A_920, %reduce_sum3A_921 [1, 2] : vector<1x1x256xf32> to vector<1xf32>
    %reduce_sum3A_923 = vector.shape_cast %reduce_sum3A_922 : vector<1xf32> to vector<1x1x1xf32>
    %reduce_sum3A_924 = vector.extract %reduce_sum3A_923[0, 0, 0] : f32 from vector<1x1x1xf32>
    %add3A_925 = arith.addf %add3A_466, %reduce_sum3A_924 : f32
    %slice3A_926 = vector.extract_strided_slice %mul3A_8 {offsets = [0, 512], sizes = [32, 256], strides = [1, 1]} : vector<32x1024xf32> to vector<32x256xf32>
    %slice3A_927 = vector.extract_strided_slice %broadcast_in_dim3A {offsets = [0, 512], sizes = [1, 256], strides = [1, 1]} : vector<1x1024xf32> to vector<1x256xf32>
    %broadcast_in_dim3A_928 = arith.constant 0x7F800000 : f32
    %broadcast_in_dim3A_929 = vector.broadcast %broadcast_in_dim3A_928 : f32 to vector<128x256xf32>
    %broadcast_in_dim3A_930 = arith.constant 0 : i32
    %broadcast_in_dim3A_931 = vector.broadcast %broadcast_in_dim3A_930 : i32 to vector<128x256xi32>
    %get3A_932 = arith.constant 0 : index
    %get3A_933 = arith.constant 0 : index
    %get3A_934 = vector.load %arg2[%get3A_932, %get3A_933] : memref<8192x32xf32, #tpu.memory_space<vmem>>, vector<2048x32xf32>
    %slice3A_935 = vector.extract_strided_slice %broadcast_in_dim3A_18 {offsets = [0, 0], sizes = [2048, 1], strides = [1, 1]} : vector<8192x1xf32> to vector<2048x1xf32>
    %dot_general3A_936 = arith.constant dense<0.000000e+00> : vector<2048x256xf32>
    %dot_general3A_937 = tpu.matmul %get3A_934, %slice3A_926, %dot_general3A_936 {dimension_numbers = #tpu.dot_dimension_numbers<[1], [0], [0], [1], [0, 0, 1, 1], [], []>, transpose_lhs_hint = false} : vector<2048x32xf32>, vector<32x256xf32>, vector<2048x256xf32> -> vector<2048x256xf32>
    %add3A_938 = vector.broadcast %slice3A_927 : vector<1x256xf32> to vector<2048x256xf32>
    %add3A_939 = vector.broadcast %slice3A_935 : vector<2048x1xf32> to vector<2048x256xf32>
    %add3A_940 = arith.addf %add3A_938, %add3A_939 : vector<2048x256xf32>
    %add3A_941 = arith.addf %add3A_940, %dot_general3A_937 : vector<2048x256xf32>
    %slice3A_942 = vector.extract_strided_slice %add3A_941 {offsets = [0, 0], sizes = [128, 256], strides = [1, 1]} : vector<2048x256xf32> to vector<128x256xf32>
    %lt3A_943 = arith.cmpf olt, %slice3A_942, %broadcast_in_dim3A_929 : vector<128x256xf32>
    %min3A_944 = arith.minimumf %slice3A_942, %broadcast_in_dim3A_929 : vector<128x256xf32>
    %jit3A_945 = arith.constant 0 : i32
    %broadcast_in_dim3A_946 = vector.broadcast %jit3A_945 : i32 to vector<128x256xi32>
    %select_n3A_947 = arith.select %lt3A_943, %broadcast_in_dim3A_946, %broadcast_in_dim3A_931 : vector<128x256xi1>, vector<128x256xi32>
    %slice3A_948 = vector.extract_strided_slice %add3A_941 {offsets = [128, 0], sizes = [128, 256], strides = [1, 1]} : vector<2048x256xf32> to vector<128x256xf32>
    %lt3A_949 = arith.cmpf olt, %slice3A_948, %min3A_944 : vector<128x256xf32>
    %min3A_950 = arith.minimumf %slice3A_948, %min3A_944 : vector<128x256xf32>
    %jit3A_951 = arith.constant 1 : i32
    %broadcast_in_dim3A_952 = vector.broadcast %jit3A_951 : i32 to vector<128x256xi32>
    %select_n3A_953 = arith.select %lt3A_949, %broadcast_in_dim3A_952, %select_n3A_947 : vector<128x256xi1>, vector<128x256xi32>
    %slice3A_954 = vector.extract_strided_slice %add3A_941 {offsets = [256, 0], sizes = [128, 256], strides = [1, 1]} : vector<2048x256xf32> to vector<128x256xf32>
    %lt3A_955 = arith.cmpf olt, %slice3A_954, %min3A_950 : vector<128x256xf32>
    %min3A_956 = arith.minimumf %slice3A_954, %min3A_950 : vector<128x256xf32>
    %jit3A_957 = arith.constant 2 : i32
    %broadcast_in_dim3A_958 = vector.broadcast %jit3A_957 : i32 to vector<128x256xi32>
    %select_n3A_959 = arith.select %lt3A_955, %broadcast_in_dim3A_958, %select_n3A_953 : vector<128x256xi1>, vector<128x256xi32>
    %slice3A_960 = vector.extract_strided_slice %add3A_941 {offsets = [384, 0], sizes = [128, 256], strides = [1, 1]} : vector<2048x256xf32> to vector<128x256xf32>
    %lt3A_961 = arith.cmpf olt, %slice3A_960, %min3A_956 : vector<128x256xf32>
    %min3A_962 = arith.minimumf %slice3A_960, %min3A_956 : vector<128x256xf32>
    %jit3A_963 = arith.constant 3 : i32
    %broadcast_in_dim3A_964 = vector.broadcast %jit3A_963 : i32 to vector<128x256xi32>
    %select_n3A_965 = arith.select %lt3A_961, %broadcast_in_dim3A_964, %select_n3A_959 : vector<128x256xi1>, vector<128x256xi32>
    %slice3A_966 = vector.extract_strided_slice %add3A_941 {offsets = [512, 0], sizes = [128, 256], strides = [1, 1]} : vector<2048x256xf32> to vector<128x256xf32>
    %lt3A_967 = arith.cmpf olt, %slice3A_966, %min3A_962 : vector<128x256xf32>
    %min3A_968 = arith.minimumf %slice3A_966, %min3A_962 : vector<128x256xf32>
    %jit3A_969 = arith.constant 4 : i32
    %broadcast_in_dim3A_970 = vector.broadcast %jit3A_969 : i32 to vector<128x256xi32>
    %select_n3A_971 = arith.select %lt3A_967, %broadcast_in_dim3A_970, %select_n3A_965 : vector<128x256xi1>, vector<128x256xi32>
    %slice3A_972 = vector.extract_strided_slice %add3A_941 {offsets = [640, 0], sizes = [128, 256], strides = [1, 1]} : vector<2048x256xf32> to vector<128x256xf32>
    %lt3A_973 = arith.cmpf olt, %slice3A_972, %min3A_968 : vector<128x256xf32>
    %min3A_974 = arith.minimumf %slice3A_972, %min3A_968 : vector<128x256xf32>
    %jit3A_975 = arith.constant 5 : i32
    %broadcast_in_dim3A_976 = vector.broadcast %jit3A_975 : i32 to vector<128x256xi32>
    %select_n3A_977 = arith.select %lt3A_973, %broadcast_in_dim3A_976, %select_n3A_971 : vector<128x256xi1>, vector<128x256xi32>
    %slice3A_978 = vector.extract_strided_slice %add3A_941 {offsets = [768, 0], sizes = [128, 256], strides = [1, 1]} : vector<2048x256xf32> to vector<128x256xf32>
    %lt3A_979 = arith.cmpf olt, %slice3A_978, %min3A_974 : vector<128x256xf32>
    %min3A_980 = arith.minimumf %slice3A_978, %min3A_974 : vector<128x256xf32>
    %jit3A_981 = arith.constant 6 : i32
    %broadcast_in_dim3A_982 = vector.broadcast %jit3A_981 : i32 to vector<128x256xi32>
    %select_n3A_983 = arith.select %lt3A_979, %broadcast_in_dim3A_982, %select_n3A_977 : vector<128x256xi1>, vector<128x256xi32>
    %slice3A_984 = vector.extract_strided_slice %add3A_941 {offsets = [896, 0], sizes = [128, 256], strides = [1, 1]} : vector<2048x256xf32> to vector<128x256xf32>
    %lt3A_985 = arith.cmpf olt, %slice3A_984, %min3A_980 : vector<128x256xf32>
    %min3A_986 = arith.minimumf %slice3A_984, %min3A_980 : vector<128x256xf32>
    %jit3A_987 = arith.constant 7 : i32
    %broadcast_in_dim3A_988 = vector.broadcast %jit3A_987 : i32 to vector<128x256xi32>
    %select_n3A_989 = arith.select %lt3A_985, %broadcast_in_dim3A_988, %select_n3A_983 : vector<128x256xi1>, vector<128x256xi32>
    %slice3A_990 = vector.extract_strided_slice %add3A_941 {offsets = [1024, 0], sizes = [128, 256], strides = [1, 1]} : vector<2048x256xf32> to vector<128x256xf32>
    %lt3A_991 = arith.cmpf olt, %slice3A_990, %min3A_986 : vector<128x256xf32>
    %min3A_992 = arith.minimumf %slice3A_990, %min3A_986 : vector<128x256xf32>
    %jit3A_993 = arith.constant 8 : i32
    %broadcast_in_dim3A_994 = vector.broadcast %jit3A_993 : i32 to vector<128x256xi32>
    %select_n3A_995 = arith.select %lt3A_991, %broadcast_in_dim3A_994, %select_n3A_989 : vector<128x256xi1>, vector<128x256xi32>
    %slice3A_996 = vector.extract_strided_slice %add3A_941 {offsets = [1152, 0], sizes = [128, 256], strides = [1, 1]} : vector<2048x256xf32> to vector<128x256xf32>
    %lt3A_997 = arith.cmpf olt, %slice3A_996, %min3A_992 : vector<128x256xf32>
    %min3A_998 = arith.minimumf %slice3A_996, %min3A_992 : vector<128x256xf32>
    %jit3A_999 = arith.constant 9 : i32
    %broadcast_in_dim3A_1000 = vector.broadcast %jit3A_999 : i32 to vector<128x256xi32>
    %select_n3A_1001 = arith.select %lt3A_997, %broadcast_in_dim3A_1000, %select_n3A_995 : vector<128x256xi1>, vector<128x256xi32>
    %slice3A_1002 = vector.extract_strided_slice %add3A_941 {offsets = [1280, 0], sizes = [128, 256], strides = [1, 1]} : vector<2048x256xf32> to vector<128x256xf32>
    %lt3A_1003 = arith.cmpf olt, %slice3A_1002, %min3A_998 : vector<128x256xf32>
    %min3A_1004 = arith.minimumf %slice3A_1002, %min3A_998 : vector<128x256xf32>
    %jit3A_1005 = arith.constant 10 : i32
    %broadcast_in_dim3A_1006 = vector.broadcast %jit3A_1005 : i32 to vector<128x256xi32>
    %select_n3A_1007 = arith.select %lt3A_1003, %broadcast_in_dim3A_1006, %select_n3A_1001 : vector<128x256xi1>, vector<128x256xi32>
    %slice3A_1008 = vector.extract_strided_slice %add3A_941 {offsets = [1408, 0], sizes = [128, 256], strides = [1, 1]} : vector<2048x256xf32> to vector<128x256xf32>
    %lt3A_1009 = arith.cmpf olt, %slice3A_1008, %min3A_1004 : vector<128x256xf32>
    %min3A_1010 = arith.minimumf %slice3A_1008, %min3A_1004 : vector<128x256xf32>
    %jit3A_1011 = arith.constant 11 : i32
    %broadcast_in_dim3A_1012 = vector.broadcast %jit3A_1011 : i32 to vector<128x256xi32>
    %select_n3A_1013 = arith.select %lt3A_1009, %broadcast_in_dim3A_1012, %select_n3A_1007 : vector<128x256xi1>, vector<128x256xi32>
    %slice3A_1014 = vector.extract_strided_slice %add3A_941 {offsets = [1536, 0], sizes = [128, 256], strides = [1, 1]} : vector<2048x256xf32> to vector<128x256xf32>
    %lt3A_1015 = arith.cmpf olt, %slice3A_1014, %min3A_1010 : vector<128x256xf32>
    %min3A_1016 = arith.minimumf %slice3A_1014, %min3A_1010 : vector<128x256xf32>
    %jit3A_1017 = arith.constant 12 : i32
    %broadcast_in_dim3A_1018 = vector.broadcast %jit3A_1017 : i32 to vector<128x256xi32>
    %select_n3A_1019 = arith.select %lt3A_1015, %broadcast_in_dim3A_1018, %select_n3A_1013 : vector<128x256xi1>, vector<128x256xi32>
    %slice3A_1020 = vector.extract_strided_slice %add3A_941 {offsets = [1664, 0], sizes = [128, 256], strides = [1, 1]} : vector<2048x256xf32> to vector<128x256xf32>
    %lt3A_1021 = arith.cmpf olt, %slice3A_1020, %min3A_1016 : vector<128x256xf32>
    %min3A_1022 = arith.minimumf %slice3A_1020, %min3A_1016 : vector<128x256xf32>
    %jit3A_1023 = arith.constant 13 : i32
    %broadcast_in_dim3A_1024 = vector.broadcast %jit3A_1023 : i32 to vector<128x256xi32>
    %select_n3A_1025 = arith.select %lt3A_1021, %broadcast_in_dim3A_1024, %select_n3A_1019 : vector<128x256xi1>, vector<128x256xi32>
    %slice3A_1026 = vector.extract_strided_slice %add3A_941 {offsets = [1792, 0], sizes = [128, 256], strides = [1, 1]} : vector<2048x256xf32> to vector<128x256xf32>
    %lt3A_1027 = arith.cmpf olt, %slice3A_1026, %min3A_1022 : vector<128x256xf32>
    %min3A_1028 = arith.minimumf %slice3A_1026, %min3A_1022 : vector<128x256xf32>
    %jit3A_1029 = arith.constant 14 : i32
    %broadcast_in_dim3A_1030 = vector.broadcast %jit3A_1029 : i32 to vector<128x256xi32>
    %select_n3A_1031 = arith.select %lt3A_1027, %broadcast_in_dim3A_1030, %select_n3A_1025 : vector<128x256xi1>, vector<128x256xi32>
    %slice3A_1032 = vector.extract_strided_slice %add3A_941 {offsets = [1920, 0], sizes = [128, 256], strides = [1, 1]} : vector<2048x256xf32> to vector<128x256xf32>
    %lt3A_1033 = arith.cmpf olt, %slice3A_1032, %min3A_1028 : vector<128x256xf32>
    %min3A_1034 = arith.minimumf %slice3A_1032, %min3A_1028 : vector<128x256xf32>
    %jit3A_1035 = arith.constant 15 : i32
    %broadcast_in_dim3A_1036 = vector.broadcast %jit3A_1035 : i32 to vector<128x256xi32>
    %select_n3A_1037 = arith.select %lt3A_1033, %broadcast_in_dim3A_1036, %select_n3A_1031 : vector<128x256xi1>, vector<128x256xi32>
    %get3A_1038 = arith.constant 2048 : index
    %get3A_1039 = arith.constant 0 : index
    %get3A_1040 = vector.load %arg2[%get3A_1038, %get3A_1039] : memref<8192x32xf32, #tpu.memory_space<vmem>>, vector<2048x32xf32>
    %slice3A_1041 = vector.extract_strided_slice %broadcast_in_dim3A_18 {offsets = [2048, 0], sizes = [2048, 1], strides = [1, 1]} : vector<8192x1xf32> to vector<2048x1xf32>
    %dot_general3A_1042 = arith.constant dense<0.000000e+00> : vector<2048x256xf32>
    %dot_general3A_1043 = tpu.matmul %get3A_1040, %slice3A_926, %dot_general3A_1042 {dimension_numbers = #tpu.dot_dimension_numbers<[1], [0], [0], [1], [0, 0, 1, 1], [], []>, transpose_lhs_hint = false} : vector<2048x32xf32>, vector<32x256xf32>, vector<2048x256xf32> -> vector<2048x256xf32>
    %add3A_1044 = vector.broadcast %slice3A_927 : vector<1x256xf32> to vector<2048x256xf32>
    %add3A_1045 = vector.broadcast %slice3A_1041 : vector<2048x1xf32> to vector<2048x256xf32>
    %add3A_1046 = arith.addf %add3A_1044, %add3A_1045 : vector<2048x256xf32>
    %add3A_1047 = arith.addf %add3A_1046, %dot_general3A_1043 : vector<2048x256xf32>
    %slice3A_1048 = vector.extract_strided_slice %add3A_1047 {offsets = [0, 0], sizes = [128, 256], strides = [1, 1]} : vector<2048x256xf32> to vector<128x256xf32>
    %lt3A_1049 = arith.cmpf olt, %slice3A_1048, %min3A_1034 : vector<128x256xf32>
    %min3A_1050 = arith.minimumf %slice3A_1048, %min3A_1034 : vector<128x256xf32>
    %jit3A_1051 = arith.constant 16 : i32
    %broadcast_in_dim3A_1052 = vector.broadcast %jit3A_1051 : i32 to vector<128x256xi32>
    %select_n3A_1053 = arith.select %lt3A_1049, %broadcast_in_dim3A_1052, %select_n3A_1037 : vector<128x256xi1>, vector<128x256xi32>
    %slice3A_1054 = vector.extract_strided_slice %add3A_1047 {offsets = [128, 0], sizes = [128, 256], strides = [1, 1]} : vector<2048x256xf32> to vector<128x256xf32>
    %lt3A_1055 = arith.cmpf olt, %slice3A_1054, %min3A_1050 : vector<128x256xf32>
    %min3A_1056 = arith.minimumf %slice3A_1054, %min3A_1050 : vector<128x256xf32>
    %jit3A_1057 = arith.constant 17 : i32
    %broadcast_in_dim3A_1058 = vector.broadcast %jit3A_1057 : i32 to vector<128x256xi32>
    %select_n3A_1059 = arith.select %lt3A_1055, %broadcast_in_dim3A_1058, %select_n3A_1053 : vector<128x256xi1>, vector<128x256xi32>
    %slice3A_1060 = vector.extract_strided_slice %add3A_1047 {offsets = [256, 0], sizes = [128, 256], strides = [1, 1]} : vector<2048x256xf32> to vector<128x256xf32>
    %lt3A_1061 = arith.cmpf olt, %slice3A_1060, %min3A_1056 : vector<128x256xf32>
    %min3A_1062 = arith.minimumf %slice3A_1060, %min3A_1056 : vector<128x256xf32>
    %jit3A_1063 = arith.constant 18 : i32
    %broadcast_in_dim3A_1064 = vector.broadcast %jit3A_1063 : i32 to vector<128x256xi32>
    %select_n3A_1065 = arith.select %lt3A_1061, %broadcast_in_dim3A_1064, %select_n3A_1059 : vector<128x256xi1>, vector<128x256xi32>
    %slice3A_1066 = vector.extract_strided_slice %add3A_1047 {offsets = [384, 0], sizes = [128, 256], strides = [1, 1]} : vector<2048x256xf32> to vector<128x256xf32>
    %lt3A_1067 = arith.cmpf olt, %slice3A_1066, %min3A_1062 : vector<128x256xf32>
    %min3A_1068 = arith.minimumf %slice3A_1066, %min3A_1062 : vector<128x256xf32>
    %jit3A_1069 = arith.constant 19 : i32
    %broadcast_in_dim3A_1070 = vector.broadcast %jit3A_1069 : i32 to vector<128x256xi32>
    %select_n3A_1071 = arith.select %lt3A_1067, %broadcast_in_dim3A_1070, %select_n3A_1065 : vector<128x256xi1>, vector<128x256xi32>
    %slice3A_1072 = vector.extract_strided_slice %add3A_1047 {offsets = [512, 0], sizes = [128, 256], strides = [1, 1]} : vector<2048x256xf32> to vector<128x256xf32>
    %lt3A_1073 = arith.cmpf olt, %slice3A_1072, %min3A_1068 : vector<128x256xf32>
    %min3A_1074 = arith.minimumf %slice3A_1072, %min3A_1068 : vector<128x256xf32>
    %jit3A_1075 = arith.constant 20 : i32
    %broadcast_in_dim3A_1076 = vector.broadcast %jit3A_1075 : i32 to vector<128x256xi32>
    %select_n3A_1077 = arith.select %lt3A_1073, %broadcast_in_dim3A_1076, %select_n3A_1071 : vector<128x256xi1>, vector<128x256xi32>
    %slice3A_1078 = vector.extract_strided_slice %add3A_1047 {offsets = [640, 0], sizes = [128, 256], strides = [1, 1]} : vector<2048x256xf32> to vector<128x256xf32>
    %lt3A_1079 = arith.cmpf olt, %slice3A_1078, %min3A_1074 : vector<128x256xf32>
    %min3A_1080 = arith.minimumf %slice3A_1078, %min3A_1074 : vector<128x256xf32>
    %jit3A_1081 = arith.constant 21 : i32
    %broadcast_in_dim3A_1082 = vector.broadcast %jit3A_1081 : i32 to vector<128x256xi32>
    %select_n3A_1083 = arith.select %lt3A_1079, %broadcast_in_dim3A_1082, %select_n3A_1077 : vector<128x256xi1>, vector<128x256xi32>
    %slice3A_1084 = vector.extract_strided_slice %add3A_1047 {offsets = [768, 0], sizes = [128, 256], strides = [1, 1]} : vector<2048x256xf32> to vector<128x256xf32>
    %lt3A_1085 = arith.cmpf olt, %slice3A_1084, %min3A_1080 : vector<128x256xf32>
    %min3A_1086 = arith.minimumf %slice3A_1084, %min3A_1080 : vector<128x256xf32>
    %jit3A_1087 = arith.constant 22 : i32
    %broadcast_in_dim3A_1088 = vector.broadcast %jit3A_1087 : i32 to vector<128x256xi32>
    %select_n3A_1089 = arith.select %lt3A_1085, %broadcast_in_dim3A_1088, %select_n3A_1083 : vector<128x256xi1>, vector<128x256xi32>
    %slice3A_1090 = vector.extract_strided_slice %add3A_1047 {offsets = [896, 0], sizes = [128, 256], strides = [1, 1]} : vector<2048x256xf32> to vector<128x256xf32>
    %lt3A_1091 = arith.cmpf olt, %slice3A_1090, %min3A_1086 : vector<128x256xf32>
    %min3A_1092 = arith.minimumf %slice3A_1090, %min3A_1086 : vector<128x256xf32>
    %jit3A_1093 = arith.constant 23 : i32
    %broadcast_in_dim3A_1094 = vector.broadcast %jit3A_1093 : i32 to vector<128x256xi32>
    %select_n3A_1095 = arith.select %lt3A_1091, %broadcast_in_dim3A_1094, %select_n3A_1089 : vector<128x256xi1>, vector<128x256xi32>
    %slice3A_1096 = vector.extract_strided_slice %add3A_1047 {offsets = [1024, 0], sizes = [128, 256], strides = [1, 1]} : vector<2048x256xf32> to vector<128x256xf32>
    %lt3A_1097 = arith.cmpf olt, %slice3A_1096, %min3A_1092 : vector<128x256xf32>
    %min3A_1098 = arith.minimumf %slice3A_1096, %min3A_1092 : vector<128x256xf32>
    %jit3A_1099 = arith.constant 24 : i32
    %broadcast_in_dim3A_1100 = vector.broadcast %jit3A_1099 : i32 to vector<128x256xi32>
    %select_n3A_1101 = arith.select %lt3A_1097, %broadcast_in_dim3A_1100, %select_n3A_1095 : vector<128x256xi1>, vector<128x256xi32>
    %slice3A_1102 = vector.extract_strided_slice %add3A_1047 {offsets = [1152, 0], sizes = [128, 256], strides = [1, 1]} : vector<2048x256xf32> to vector<128x256xf32>
    %lt3A_1103 = arith.cmpf olt, %slice3A_1102, %min3A_1098 : vector<128x256xf32>
    %min3A_1104 = arith.minimumf %slice3A_1102, %min3A_1098 : vector<128x256xf32>
    %jit3A_1105 = arith.constant 25 : i32
    %broadcast_in_dim3A_1106 = vector.broadcast %jit3A_1105 : i32 to vector<128x256xi32>
    %select_n3A_1107 = arith.select %lt3A_1103, %broadcast_in_dim3A_1106, %select_n3A_1101 : vector<128x256xi1>, vector<128x256xi32>
    %slice3A_1108 = vector.extract_strided_slice %add3A_1047 {offsets = [1280, 0], sizes = [128, 256], strides = [1, 1]} : vector<2048x256xf32> to vector<128x256xf32>
    %lt3A_1109 = arith.cmpf olt, %slice3A_1108, %min3A_1104 : vector<128x256xf32>
    %min3A_1110 = arith.minimumf %slice3A_1108, %min3A_1104 : vector<128x256xf32>
    %jit3A_1111 = arith.constant 26 : i32
    %broadcast_in_dim3A_1112 = vector.broadcast %jit3A_1111 : i32 to vector<128x256xi32>
    %select_n3A_1113 = arith.select %lt3A_1109, %broadcast_in_dim3A_1112, %select_n3A_1107 : vector<128x256xi1>, vector<128x256xi32>
    %slice3A_1114 = vector.extract_strided_slice %add3A_1047 {offsets = [1408, 0], sizes = [128, 256], strides = [1, 1]} : vector<2048x256xf32> to vector<128x256xf32>
    %lt3A_1115 = arith.cmpf olt, %slice3A_1114, %min3A_1110 : vector<128x256xf32>
    %min3A_1116 = arith.minimumf %slice3A_1114, %min3A_1110 : vector<128x256xf32>
    %jit3A_1117 = arith.constant 27 : i32
    %broadcast_in_dim3A_1118 = vector.broadcast %jit3A_1117 : i32 to vector<128x256xi32>
    %select_n3A_1119 = arith.select %lt3A_1115, %broadcast_in_dim3A_1118, %select_n3A_1113 : vector<128x256xi1>, vector<128x256xi32>
    %slice3A_1120 = vector.extract_strided_slice %add3A_1047 {offsets = [1536, 0], sizes = [128, 256], strides = [1, 1]} : vector<2048x256xf32> to vector<128x256xf32>
    %lt3A_1121 = arith.cmpf olt, %slice3A_1120, %min3A_1116 : vector<128x256xf32>
    %min3A_1122 = arith.minimumf %slice3A_1120, %min3A_1116 : vector<128x256xf32>
    %jit3A_1123 = arith.constant 28 : i32
    %broadcast_in_dim3A_1124 = vector.broadcast %jit3A_1123 : i32 to vector<128x256xi32>
    %select_n3A_1125 = arith.select %lt3A_1121, %broadcast_in_dim3A_1124, %select_n3A_1119 : vector<128x256xi1>, vector<128x256xi32>
    %slice3A_1126 = vector.extract_strided_slice %add3A_1047 {offsets = [1664, 0], sizes = [128, 256], strides = [1, 1]} : vector<2048x256xf32> to vector<128x256xf32>
    %lt3A_1127 = arith.cmpf olt, %slice3A_1126, %min3A_1122 : vector<128x256xf32>
    %min3A_1128 = arith.minimumf %slice3A_1126, %min3A_1122 : vector<128x256xf32>
    %jit3A_1129 = arith.constant 29 : i32
    %broadcast_in_dim3A_1130 = vector.broadcast %jit3A_1129 : i32 to vector<128x256xi32>
    %select_n3A_1131 = arith.select %lt3A_1127, %broadcast_in_dim3A_1130, %select_n3A_1125 : vector<128x256xi1>, vector<128x256xi32>
    %slice3A_1132 = vector.extract_strided_slice %add3A_1047 {offsets = [1792, 0], sizes = [128, 256], strides = [1, 1]} : vector<2048x256xf32> to vector<128x256xf32>
    %lt3A_1133 = arith.cmpf olt, %slice3A_1132, %min3A_1128 : vector<128x256xf32>
    %min3A_1134 = arith.minimumf %slice3A_1132, %min3A_1128 : vector<128x256xf32>
    %jit3A_1135 = arith.constant 30 : i32
    %broadcast_in_dim3A_1136 = vector.broadcast %jit3A_1135 : i32 to vector<128x256xi32>
    %select_n3A_1137 = arith.select %lt3A_1133, %broadcast_in_dim3A_1136, %select_n3A_1131 : vector<128x256xi1>, vector<128x256xi32>
    %slice3A_1138 = vector.extract_strided_slice %add3A_1047 {offsets = [1920, 0], sizes = [128, 256], strides = [1, 1]} : vector<2048x256xf32> to vector<128x256xf32>
    %lt3A_1139 = arith.cmpf olt, %slice3A_1138, %min3A_1134 : vector<128x256xf32>
    %min3A_1140 = arith.minimumf %slice3A_1138, %min3A_1134 : vector<128x256xf32>
    %jit3A_1141 = arith.constant 31 : i32
    %broadcast_in_dim3A_1142 = vector.broadcast %jit3A_1141 : i32 to vector<128x256xi32>
    %select_n3A_1143 = arith.select %lt3A_1139, %broadcast_in_dim3A_1142, %select_n3A_1137 : vector<128x256xi1>, vector<128x256xi32>
    %get3A_1144 = arith.constant 4096 : index
    %get3A_1145 = arith.constant 0 : index
    %get3A_1146 = vector.load %arg2[%get3A_1144, %get3A_1145] : memref<8192x32xf32, #tpu.memory_space<vmem>>, vector<2048x32xf32>
    %slice3A_1147 = vector.extract_strided_slice %broadcast_in_dim3A_18 {offsets = [4096, 0], sizes = [2048, 1], strides = [1, 1]} : vector<8192x1xf32> to vector<2048x1xf32>
    %dot_general3A_1148 = arith.constant dense<0.000000e+00> : vector<2048x256xf32>
    %dot_general3A_1149 = tpu.matmul %get3A_1146, %slice3A_926, %dot_general3A_1148 {dimension_numbers = #tpu.dot_dimension_numbers<[1], [0], [0], [1], [0, 0, 1, 1], [], []>, transpose_lhs_hint = false} : vector<2048x32xf32>, vector<32x256xf32>, vector<2048x256xf32> -> vector<2048x256xf32>
    %add3A_1150 = vector.broadcast %slice3A_927 : vector<1x256xf32> to vector<2048x256xf32>
    %add3A_1151 = vector.broadcast %slice3A_1147 : vector<2048x1xf32> to vector<2048x256xf32>
    %add3A_1152 = arith.addf %add3A_1150, %add3A_1151 : vector<2048x256xf32>
    %add3A_1153 = arith.addf %add3A_1152, %dot_general3A_1149 : vector<2048x256xf32>
    %slice3A_1154 = vector.extract_strided_slice %add3A_1153 {offsets = [0, 0], sizes = [128, 256], strides = [1, 1]} : vector<2048x256xf32> to vector<128x256xf32>
    %lt3A_1155 = arith.cmpf olt, %slice3A_1154, %min3A_1140 : vector<128x256xf32>
    %min3A_1156 = arith.minimumf %slice3A_1154, %min3A_1140 : vector<128x256xf32>
    %jit3A_1157 = arith.constant 32 : i32
    %broadcast_in_dim3A_1158 = vector.broadcast %jit3A_1157 : i32 to vector<128x256xi32>
    %select_n3A_1159 = arith.select %lt3A_1155, %broadcast_in_dim3A_1158, %select_n3A_1143 : vector<128x256xi1>, vector<128x256xi32>
    %slice3A_1160 = vector.extract_strided_slice %add3A_1153 {offsets = [128, 0], sizes = [128, 256], strides = [1, 1]} : vector<2048x256xf32> to vector<128x256xf32>
    %lt3A_1161 = arith.cmpf olt, %slice3A_1160, %min3A_1156 : vector<128x256xf32>
    %min3A_1162 = arith.minimumf %slice3A_1160, %min3A_1156 : vector<128x256xf32>
    %jit3A_1163 = arith.constant 33 : i32
    %broadcast_in_dim3A_1164 = vector.broadcast %jit3A_1163 : i32 to vector<128x256xi32>
    %select_n3A_1165 = arith.select %lt3A_1161, %broadcast_in_dim3A_1164, %select_n3A_1159 : vector<128x256xi1>, vector<128x256xi32>
    %slice3A_1166 = vector.extract_strided_slice %add3A_1153 {offsets = [256, 0], sizes = [128, 256], strides = [1, 1]} : vector<2048x256xf32> to vector<128x256xf32>
    %lt3A_1167 = arith.cmpf olt, %slice3A_1166, %min3A_1162 : vector<128x256xf32>
    %min3A_1168 = arith.minimumf %slice3A_1166, %min3A_1162 : vector<128x256xf32>
    %jit3A_1169 = arith.constant 34 : i32
    %broadcast_in_dim3A_1170 = vector.broadcast %jit3A_1169 : i32 to vector<128x256xi32>
    %select_n3A_1171 = arith.select %lt3A_1167, %broadcast_in_dim3A_1170, %select_n3A_1165 : vector<128x256xi1>, vector<128x256xi32>
    %slice3A_1172 = vector.extract_strided_slice %add3A_1153 {offsets = [384, 0], sizes = [128, 256], strides = [1, 1]} : vector<2048x256xf32> to vector<128x256xf32>
    %lt3A_1173 = arith.cmpf olt, %slice3A_1172, %min3A_1168 : vector<128x256xf32>
    %min3A_1174 = arith.minimumf %slice3A_1172, %min3A_1168 : vector<128x256xf32>
    %jit3A_1175 = arith.constant 35 : i32
    %broadcast_in_dim3A_1176 = vector.broadcast %jit3A_1175 : i32 to vector<128x256xi32>
    %select_n3A_1177 = arith.select %lt3A_1173, %broadcast_in_dim3A_1176, %select_n3A_1171 : vector<128x256xi1>, vector<128x256xi32>
    %slice3A_1178 = vector.extract_strided_slice %add3A_1153 {offsets = [512, 0], sizes = [128, 256], strides = [1, 1]} : vector<2048x256xf32> to vector<128x256xf32>
    %lt3A_1179 = arith.cmpf olt, %slice3A_1178, %min3A_1174 : vector<128x256xf32>
    %min3A_1180 = arith.minimumf %slice3A_1178, %min3A_1174 : vector<128x256xf32>
    %jit3A_1181 = arith.constant 36 : i32
    %broadcast_in_dim3A_1182 = vector.broadcast %jit3A_1181 : i32 to vector<128x256xi32>
    %select_n3A_1183 = arith.select %lt3A_1179, %broadcast_in_dim3A_1182, %select_n3A_1177 : vector<128x256xi1>, vector<128x256xi32>
    %slice3A_1184 = vector.extract_strided_slice %add3A_1153 {offsets = [640, 0], sizes = [128, 256], strides = [1, 1]} : vector<2048x256xf32> to vector<128x256xf32>
    %lt3A_1185 = arith.cmpf olt, %slice3A_1184, %min3A_1180 : vector<128x256xf32>
    %min3A_1186 = arith.minimumf %slice3A_1184, %min3A_1180 : vector<128x256xf32>
    %jit3A_1187 = arith.constant 37 : i32
    %broadcast_in_dim3A_1188 = vector.broadcast %jit3A_1187 : i32 to vector<128x256xi32>
    %select_n3A_1189 = arith.select %lt3A_1185, %broadcast_in_dim3A_1188, %select_n3A_1183 : vector<128x256xi1>, vector<128x256xi32>
    %slice3A_1190 = vector.extract_strided_slice %add3A_1153 {offsets = [768, 0], sizes = [128, 256], strides = [1, 1]} : vector<2048x256xf32> to vector<128x256xf32>
    %lt3A_1191 = arith.cmpf olt, %slice3A_1190, %min3A_1186 : vector<128x256xf32>
    %min3A_1192 = arith.minimumf %slice3A_1190, %min3A_1186 : vector<128x256xf32>
    %jit3A_1193 = arith.constant 38 : i32
    %broadcast_in_dim3A_1194 = vector.broadcast %jit3A_1193 : i32 to vector<128x256xi32>
    %select_n3A_1195 = arith.select %lt3A_1191, %broadcast_in_dim3A_1194, %select_n3A_1189 : vector<128x256xi1>, vector<128x256xi32>
    %slice3A_1196 = vector.extract_strided_slice %add3A_1153 {offsets = [896, 0], sizes = [128, 256], strides = [1, 1]} : vector<2048x256xf32> to vector<128x256xf32>
    %lt3A_1197 = arith.cmpf olt, %slice3A_1196, %min3A_1192 : vector<128x256xf32>
    %min3A_1198 = arith.minimumf %slice3A_1196, %min3A_1192 : vector<128x256xf32>
    %jit3A_1199 = arith.constant 39 : i32
    %broadcast_in_dim3A_1200 = vector.broadcast %jit3A_1199 : i32 to vector<128x256xi32>
    %select_n3A_1201 = arith.select %lt3A_1197, %broadcast_in_dim3A_1200, %select_n3A_1195 : vector<128x256xi1>, vector<128x256xi32>
    %slice3A_1202 = vector.extract_strided_slice %add3A_1153 {offsets = [1024, 0], sizes = [128, 256], strides = [1, 1]} : vector<2048x256xf32> to vector<128x256xf32>
    %lt3A_1203 = arith.cmpf olt, %slice3A_1202, %min3A_1198 : vector<128x256xf32>
    %min3A_1204 = arith.minimumf %slice3A_1202, %min3A_1198 : vector<128x256xf32>
    %jit3A_1205 = arith.constant 40 : i32
    %broadcast_in_dim3A_1206 = vector.broadcast %jit3A_1205 : i32 to vector<128x256xi32>
    %select_n3A_1207 = arith.select %lt3A_1203, %broadcast_in_dim3A_1206, %select_n3A_1201 : vector<128x256xi1>, vector<128x256xi32>
    %slice3A_1208 = vector.extract_strided_slice %add3A_1153 {offsets = [1152, 0], sizes = [128, 256], strides = [1, 1]} : vector<2048x256xf32> to vector<128x256xf32>
    %lt3A_1209 = arith.cmpf olt, %slice3A_1208, %min3A_1204 : vector<128x256xf32>
    %min3A_1210 = arith.minimumf %slice3A_1208, %min3A_1204 : vector<128x256xf32>
    %jit3A_1211 = arith.constant 41 : i32
    %broadcast_in_dim3A_1212 = vector.broadcast %jit3A_1211 : i32 to vector<128x256xi32>
    %select_n3A_1213 = arith.select %lt3A_1209, %broadcast_in_dim3A_1212, %select_n3A_1207 : vector<128x256xi1>, vector<128x256xi32>
    %slice3A_1214 = vector.extract_strided_slice %add3A_1153 {offsets = [1280, 0], sizes = [128, 256], strides = [1, 1]} : vector<2048x256xf32> to vector<128x256xf32>
    %lt3A_1215 = arith.cmpf olt, %slice3A_1214, %min3A_1210 : vector<128x256xf32>
    %min3A_1216 = arith.minimumf %slice3A_1214, %min3A_1210 : vector<128x256xf32>
    %jit3A_1217 = arith.constant 42 : i32
    %broadcast_in_dim3A_1218 = vector.broadcast %jit3A_1217 : i32 to vector<128x256xi32>
    %select_n3A_1219 = arith.select %lt3A_1215, %broadcast_in_dim3A_1218, %select_n3A_1213 : vector<128x256xi1>, vector<128x256xi32>
    %slice3A_1220 = vector.extract_strided_slice %add3A_1153 {offsets = [1408, 0], sizes = [128, 256], strides = [1, 1]} : vector<2048x256xf32> to vector<128x256xf32>
    %lt3A_1221 = arith.cmpf olt, %slice3A_1220, %min3A_1216 : vector<128x256xf32>
    %min3A_1222 = arith.minimumf %slice3A_1220, %min3A_1216 : vector<128x256xf32>
    %jit3A_1223 = arith.constant 43 : i32
    %broadcast_in_dim3A_1224 = vector.broadcast %jit3A_1223 : i32 to vector<128x256xi32>
    %select_n3A_1225 = arith.select %lt3A_1221, %broadcast_in_dim3A_1224, %select_n3A_1219 : vector<128x256xi1>, vector<128x256xi32>
    %slice3A_1226 = vector.extract_strided_slice %add3A_1153 {offsets = [1536, 0], sizes = [128, 256], strides = [1, 1]} : vector<2048x256xf32> to vector<128x256xf32>
    %lt3A_1227 = arith.cmpf olt, %slice3A_1226, %min3A_1222 : vector<128x256xf32>
    %min3A_1228 = arith.minimumf %slice3A_1226, %min3A_1222 : vector<128x256xf32>
    %jit3A_1229 = arith.constant 44 : i32
    %broadcast_in_dim3A_1230 = vector.broadcast %jit3A_1229 : i32 to vector<128x256xi32>
    %select_n3A_1231 = arith.select %lt3A_1227, %broadcast_in_dim3A_1230, %select_n3A_1225 : vector<128x256xi1>, vector<128x256xi32>
    %slice3A_1232 = vector.extract_strided_slice %add3A_1153 {offsets = [1664, 0], sizes = [128, 256], strides = [1, 1]} : vector<2048x256xf32> to vector<128x256xf32>
    %lt3A_1233 = arith.cmpf olt, %slice3A_1232, %min3A_1228 : vector<128x256xf32>
    %min3A_1234 = arith.minimumf %slice3A_1232, %min3A_1228 : vector<128x256xf32>
    %jit3A_1235 = arith.constant 45 : i32
    %broadcast_in_dim3A_1236 = vector.broadcast %jit3A_1235 : i32 to vector<128x256xi32>
    %select_n3A_1237 = arith.select %lt3A_1233, %broadcast_in_dim3A_1236, %select_n3A_1231 : vector<128x256xi1>, vector<128x256xi32>
    %slice3A_1238 = vector.extract_strided_slice %add3A_1153 {offsets = [1792, 0], sizes = [128, 256], strides = [1, 1]} : vector<2048x256xf32> to vector<128x256xf32>
    %lt3A_1239 = arith.cmpf olt, %slice3A_1238, %min3A_1234 : vector<128x256xf32>
    %min3A_1240 = arith.minimumf %slice3A_1238, %min3A_1234 : vector<128x256xf32>
    %jit3A_1241 = arith.constant 46 : i32
    %broadcast_in_dim3A_1242 = vector.broadcast %jit3A_1241 : i32 to vector<128x256xi32>
    %select_n3A_1243 = arith.select %lt3A_1239, %broadcast_in_dim3A_1242, %select_n3A_1237 : vector<128x256xi1>, vector<128x256xi32>
    %slice3A_1244 = vector.extract_strided_slice %add3A_1153 {offsets = [1920, 0], sizes = [128, 256], strides = [1, 1]} : vector<2048x256xf32> to vector<128x256xf32>
    %lt3A_1245 = arith.cmpf olt, %slice3A_1244, %min3A_1240 : vector<128x256xf32>
    %min3A_1246 = arith.minimumf %slice3A_1244, %min3A_1240 : vector<128x256xf32>
    %jit3A_1247 = arith.constant 47 : i32
    %broadcast_in_dim3A_1248 = vector.broadcast %jit3A_1247 : i32 to vector<128x256xi32>
    %select_n3A_1249 = arith.select %lt3A_1245, %broadcast_in_dim3A_1248, %select_n3A_1243 : vector<128x256xi1>, vector<128x256xi32>
    %get3A_1250 = arith.constant 6144 : index
    %get3A_1251 = arith.constant 0 : index
    %get3A_1252 = vector.load %arg2[%get3A_1250, %get3A_1251] : memref<8192x32xf32, #tpu.memory_space<vmem>>, vector<2048x32xf32>
    %slice3A_1253 = vector.extract_strided_slice %broadcast_in_dim3A_18 {offsets = [6144, 0], sizes = [2048, 1], strides = [1, 1]} : vector<8192x1xf32> to vector<2048x1xf32>
    %dot_general3A_1254 = arith.constant dense<0.000000e+00> : vector<2048x256xf32>
    %dot_general3A_1255 = tpu.matmul %get3A_1252, %slice3A_926, %dot_general3A_1254 {dimension_numbers = #tpu.dot_dimension_numbers<[1], [0], [0], [1], [0, 0, 1, 1], [], []>, transpose_lhs_hint = false} : vector<2048x32xf32>, vector<32x256xf32>, vector<2048x256xf32> -> vector<2048x256xf32>
    %add3A_1256 = vector.broadcast %slice3A_927 : vector<1x256xf32> to vector<2048x256xf32>
    %add3A_1257 = vector.broadcast %slice3A_1253 : vector<2048x1xf32> to vector<2048x256xf32>
    %add3A_1258 = arith.addf %add3A_1256, %add3A_1257 : vector<2048x256xf32>
    %add3A_1259 = arith.addf %add3A_1258, %dot_general3A_1255 : vector<2048x256xf32>
    %slice3A_1260 = vector.extract_strided_slice %add3A_1259 {offsets = [0, 0], sizes = [128, 256], strides = [1, 1]} : vector<2048x256xf32> to vector<128x256xf32>
    %lt3A_1261 = arith.cmpf olt, %slice3A_1260, %min3A_1246 : vector<128x256xf32>
    %min3A_1262 = arith.minimumf %slice3A_1260, %min3A_1246 : vector<128x256xf32>
    %jit3A_1263 = arith.constant 48 : i32
    %broadcast_in_dim3A_1264 = vector.broadcast %jit3A_1263 : i32 to vector<128x256xi32>
    %select_n3A_1265 = arith.select %lt3A_1261, %broadcast_in_dim3A_1264, %select_n3A_1249 : vector<128x256xi1>, vector<128x256xi32>
    %slice3A_1266 = vector.extract_strided_slice %add3A_1259 {offsets = [128, 0], sizes = [128, 256], strides = [1, 1]} : vector<2048x256xf32> to vector<128x256xf32>
    %lt3A_1267 = arith.cmpf olt, %slice3A_1266, %min3A_1262 : vector<128x256xf32>
    %min3A_1268 = arith.minimumf %slice3A_1266, %min3A_1262 : vector<128x256xf32>
    %jit3A_1269 = arith.constant 49 : i32
    %broadcast_in_dim3A_1270 = vector.broadcast %jit3A_1269 : i32 to vector<128x256xi32>
    %select_n3A_1271 = arith.select %lt3A_1267, %broadcast_in_dim3A_1270, %select_n3A_1265 : vector<128x256xi1>, vector<128x256xi32>
    %slice3A_1272 = vector.extract_strided_slice %add3A_1259 {offsets = [256, 0], sizes = [128, 256], strides = [1, 1]} : vector<2048x256xf32> to vector<128x256xf32>
    %lt3A_1273 = arith.cmpf olt, %slice3A_1272, %min3A_1268 : vector<128x256xf32>
    %min3A_1274 = arith.minimumf %slice3A_1272, %min3A_1268 : vector<128x256xf32>
    %jit3A_1275 = arith.constant 50 : i32
    %broadcast_in_dim3A_1276 = vector.broadcast %jit3A_1275 : i32 to vector<128x256xi32>
    %select_n3A_1277 = arith.select %lt3A_1273, %broadcast_in_dim3A_1276, %select_n3A_1271 : vector<128x256xi1>, vector<128x256xi32>
    %slice3A_1278 = vector.extract_strided_slice %add3A_1259 {offsets = [384, 0], sizes = [128, 256], strides = [1, 1]} : vector<2048x256xf32> to vector<128x256xf32>
    %lt3A_1279 = arith.cmpf olt, %slice3A_1278, %min3A_1274 : vector<128x256xf32>
    %min3A_1280 = arith.minimumf %slice3A_1278, %min3A_1274 : vector<128x256xf32>
    %jit3A_1281 = arith.constant 51 : i32
    %broadcast_in_dim3A_1282 = vector.broadcast %jit3A_1281 : i32 to vector<128x256xi32>
    %select_n3A_1283 = arith.select %lt3A_1279, %broadcast_in_dim3A_1282, %select_n3A_1277 : vector<128x256xi1>, vector<128x256xi32>
    %slice3A_1284 = vector.extract_strided_slice %add3A_1259 {offsets = [512, 0], sizes = [128, 256], strides = [1, 1]} : vector<2048x256xf32> to vector<128x256xf32>
    %lt3A_1285 = arith.cmpf olt, %slice3A_1284, %min3A_1280 : vector<128x256xf32>
    %min3A_1286 = arith.minimumf %slice3A_1284, %min3A_1280 : vector<128x256xf32>
    %jit3A_1287 = arith.constant 52 : i32
    %broadcast_in_dim3A_1288 = vector.broadcast %jit3A_1287 : i32 to vector<128x256xi32>
    %select_n3A_1289 = arith.select %lt3A_1285, %broadcast_in_dim3A_1288, %select_n3A_1283 : vector<128x256xi1>, vector<128x256xi32>
    %slice3A_1290 = vector.extract_strided_slice %add3A_1259 {offsets = [640, 0], sizes = [128, 256], strides = [1, 1]} : vector<2048x256xf32> to vector<128x256xf32>
    %lt3A_1291 = arith.cmpf olt, %slice3A_1290, %min3A_1286 : vector<128x256xf32>
    %min3A_1292 = arith.minimumf %slice3A_1290, %min3A_1286 : vector<128x256xf32>
    %jit3A_1293 = arith.constant 53 : i32
    %broadcast_in_dim3A_1294 = vector.broadcast %jit3A_1293 : i32 to vector<128x256xi32>
    %select_n3A_1295 = arith.select %lt3A_1291, %broadcast_in_dim3A_1294, %select_n3A_1289 : vector<128x256xi1>, vector<128x256xi32>
    %slice3A_1296 = vector.extract_strided_slice %add3A_1259 {offsets = [768, 0], sizes = [128, 256], strides = [1, 1]} : vector<2048x256xf32> to vector<128x256xf32>
    %lt3A_1297 = arith.cmpf olt, %slice3A_1296, %min3A_1292 : vector<128x256xf32>
    %min3A_1298 = arith.minimumf %slice3A_1296, %min3A_1292 : vector<128x256xf32>
    %jit3A_1299 = arith.constant 54 : i32
    %broadcast_in_dim3A_1300 = vector.broadcast %jit3A_1299 : i32 to vector<128x256xi32>
    %select_n3A_1301 = arith.select %lt3A_1297, %broadcast_in_dim3A_1300, %select_n3A_1295 : vector<128x256xi1>, vector<128x256xi32>
    %slice3A_1302 = vector.extract_strided_slice %add3A_1259 {offsets = [896, 0], sizes = [128, 256], strides = [1, 1]} : vector<2048x256xf32> to vector<128x256xf32>
    %lt3A_1303 = arith.cmpf olt, %slice3A_1302, %min3A_1298 : vector<128x256xf32>
    %min3A_1304 = arith.minimumf %slice3A_1302, %min3A_1298 : vector<128x256xf32>
    %jit3A_1305 = arith.constant 55 : i32
    %broadcast_in_dim3A_1306 = vector.broadcast %jit3A_1305 : i32 to vector<128x256xi32>
    %select_n3A_1307 = arith.select %lt3A_1303, %broadcast_in_dim3A_1306, %select_n3A_1301 : vector<128x256xi1>, vector<128x256xi32>
    %slice3A_1308 = vector.extract_strided_slice %add3A_1259 {offsets = [1024, 0], sizes = [128, 256], strides = [1, 1]} : vector<2048x256xf32> to vector<128x256xf32>
    %lt3A_1309 = arith.cmpf olt, %slice3A_1308, %min3A_1304 : vector<128x256xf32>
    %min3A_1310 = arith.minimumf %slice3A_1308, %min3A_1304 : vector<128x256xf32>
    %jit3A_1311 = arith.constant 56 : i32
    %broadcast_in_dim3A_1312 = vector.broadcast %jit3A_1311 : i32 to vector<128x256xi32>
    %select_n3A_1313 = arith.select %lt3A_1309, %broadcast_in_dim3A_1312, %select_n3A_1307 : vector<128x256xi1>, vector<128x256xi32>
    %slice3A_1314 = vector.extract_strided_slice %add3A_1259 {offsets = [1152, 0], sizes = [128, 256], strides = [1, 1]} : vector<2048x256xf32> to vector<128x256xf32>
    %lt3A_1315 = arith.cmpf olt, %slice3A_1314, %min3A_1310 : vector<128x256xf32>
    %min3A_1316 = arith.minimumf %slice3A_1314, %min3A_1310 : vector<128x256xf32>
    %jit3A_1317 = arith.constant 57 : i32
    %broadcast_in_dim3A_1318 = vector.broadcast %jit3A_1317 : i32 to vector<128x256xi32>
    %select_n3A_1319 = arith.select %lt3A_1315, %broadcast_in_dim3A_1318, %select_n3A_1313 : vector<128x256xi1>, vector<128x256xi32>
    %slice3A_1320 = vector.extract_strided_slice %add3A_1259 {offsets = [1280, 0], sizes = [128, 256], strides = [1, 1]} : vector<2048x256xf32> to vector<128x256xf32>
    %lt3A_1321 = arith.cmpf olt, %slice3A_1320, %min3A_1316 : vector<128x256xf32>
    %min3A_1322 = arith.minimumf %slice3A_1320, %min3A_1316 : vector<128x256xf32>
    %jit3A_1323 = arith.constant 58 : i32
    %broadcast_in_dim3A_1324 = vector.broadcast %jit3A_1323 : i32 to vector<128x256xi32>
    %select_n3A_1325 = arith.select %lt3A_1321, %broadcast_in_dim3A_1324, %select_n3A_1319 : vector<128x256xi1>, vector<128x256xi32>
    %slice3A_1326 = vector.extract_strided_slice %add3A_1259 {offsets = [1408, 0], sizes = [128, 256], strides = [1, 1]} : vector<2048x256xf32> to vector<128x256xf32>
    %lt3A_1327 = arith.cmpf olt, %slice3A_1326, %min3A_1322 : vector<128x256xf32>
    %min3A_1328 = arith.minimumf %slice3A_1326, %min3A_1322 : vector<128x256xf32>
    %jit3A_1329 = arith.constant 59 : i32
    %broadcast_in_dim3A_1330 = vector.broadcast %jit3A_1329 : i32 to vector<128x256xi32>
    %select_n3A_1331 = arith.select %lt3A_1327, %broadcast_in_dim3A_1330, %select_n3A_1325 : vector<128x256xi1>, vector<128x256xi32>
    %slice3A_1332 = vector.extract_strided_slice %add3A_1259 {offsets = [1536, 0], sizes = [128, 256], strides = [1, 1]} : vector<2048x256xf32> to vector<128x256xf32>
    %lt3A_1333 = arith.cmpf olt, %slice3A_1332, %min3A_1328 : vector<128x256xf32>
    %min3A_1334 = arith.minimumf %slice3A_1332, %min3A_1328 : vector<128x256xf32>
    %jit3A_1335 = arith.constant 60 : i32
    %broadcast_in_dim3A_1336 = vector.broadcast %jit3A_1335 : i32 to vector<128x256xi32>
    %select_n3A_1337 = arith.select %lt3A_1333, %broadcast_in_dim3A_1336, %select_n3A_1331 : vector<128x256xi1>, vector<128x256xi32>
    %slice3A_1338 = vector.extract_strided_slice %add3A_1259 {offsets = [1664, 0], sizes = [128, 256], strides = [1, 1]} : vector<2048x256xf32> to vector<128x256xf32>
    %lt3A_1339 = arith.cmpf olt, %slice3A_1338, %min3A_1334 : vector<128x256xf32>
    %min3A_1340 = arith.minimumf %slice3A_1338, %min3A_1334 : vector<128x256xf32>
    %jit3A_1341 = arith.constant 61 : i32
    %broadcast_in_dim3A_1342 = vector.broadcast %jit3A_1341 : i32 to vector<128x256xi32>
    %select_n3A_1343 = arith.select %lt3A_1339, %broadcast_in_dim3A_1342, %select_n3A_1337 : vector<128x256xi1>, vector<128x256xi32>
    %slice3A_1344 = vector.extract_strided_slice %add3A_1259 {offsets = [1792, 0], sizes = [128, 256], strides = [1, 1]} : vector<2048x256xf32> to vector<128x256xf32>
    %lt3A_1345 = arith.cmpf olt, %slice3A_1344, %min3A_1340 : vector<128x256xf32>
    %min3A_1346 = arith.minimumf %slice3A_1344, %min3A_1340 : vector<128x256xf32>
    %jit3A_1347 = arith.constant 62 : i32
    %broadcast_in_dim3A_1348 = vector.broadcast %jit3A_1347 : i32 to vector<128x256xi32>
    %select_n3A_1349 = arith.select %lt3A_1345, %broadcast_in_dim3A_1348, %select_n3A_1343 : vector<128x256xi1>, vector<128x256xi32>
    %slice3A_1350 = vector.extract_strided_slice %add3A_1259 {offsets = [1920, 0], sizes = [128, 256], strides = [1, 1]} : vector<2048x256xf32> to vector<128x256xf32>
    %lt3A_1351 = arith.cmpf olt, %slice3A_1350, %min3A_1346 : vector<128x256xf32>
    %min3A_1352 = arith.minimumf %slice3A_1350, %min3A_1346 : vector<128x256xf32>
    %jit3A_1353 = arith.constant 63 : i32
    %broadcast_in_dim3A_1354 = vector.broadcast %jit3A_1353 : i32 to vector<128x256xi32>
    %select_n3A_1355 = arith.select %lt3A_1351, %broadcast_in_dim3A_1354, %select_n3A_1349 : vector<128x256xi1>, vector<128x256xi32>
    %mul3A_1356 = arith.constant 128 : i32
    %mul3A_1357 = vector.broadcast %mul3A_1356 : i32 to vector<128x256xi32>
    %mul3A_1358 = arith.muli %select_n3A_1355, %mul3A_1357 : vector<128x256xi32>
    %iota3A_1359 = tpu.iota {dimensions = array<i32: 0>} : vector<128x256xi32>
    %add3A_1360 = arith.addi %mul3A_1358, %iota3A_1359 : vector<128x256xi32>
    %reduce_min3A_1361 = arith.constant dense<0x7F800000> : vector<256xf32>
    %reduce_min3A_1362 = vector.multi_reduction <minimumf>, %min3A_1352, %reduce_min3A_1361 [0] : vector<128x256xf32> to vector<256xf32>
    %broadcast_in_dim3A_1363 = vector.shape_cast %reduce_min3A_1362 : vector<256xf32> to vector<1x256xf32>
    %eq3A_1364 = vector.broadcast %broadcast_in_dim3A_1363 : vector<1x256xf32> to vector<128x256xf32>
    %eq3A_1365 = arith.cmpf oeq, %min3A_1352, %eq3A_1364 : vector<128x256xf32>
    %jit3A_1366 = arith.constant 8192 : i32
    %broadcast_in_dim3A_1367 = vector.broadcast %jit3A_1366 : i32 to vector<128x256xi32>
    %select_n3A_1368 = arith.select %eq3A_1365, %add3A_1360, %broadcast_in_dim3A_1367 : vector<128x256xi1>, vector<128x256xi32>
    %reduce_min3A_1369 = arith.constant dense<2147483647> : vector<256xi32>
    %reduce_min3A_1370 = vector.multi_reduction <minsi>, %select_n3A_1368, %reduce_min3A_1369 [0] : vector<128x256xi32> to vector<256xi32>
    %broadcast_in_dim3A_1371 = vector.shape_cast %reduce_min3A_1370 : vector<256xi32> to vector<1x256xi32>
    %squeeze3A_1372 = vector.shape_cast %broadcast_in_dim3A_1371 : vector<1x256xi32> to vector<256xi32>
    %swap3A_1373 = arith.constant 0 : index
    %swap3A_1374 = arith.constant 0 : index
    %swap3A_1375 = arith.constant 512 : index
    %swap3A_1376 = vector.load %arg3[%swap3A_1373, %swap3A_1374, %swap3A_1375] : memref<1x1x1024xi32, #tpu.memory_space<vmem>>, vector<1x1x256xi32>
    %swap3A_1377 = vector.shape_cast %swap3A_1376 : vector<1x1x256xi32> to vector<256xi32>
    %swap3A_1378 = vector.shape_cast %squeeze3A_1372 : vector<256xi32> to vector<1x1x256xi32>
    tpu.vector_store %arg3[%swap3A_1373, %swap3A_1374, %swap3A_1375], %swap3A_1378 {strides = array<i32>} : memref<1x1x1024xi32, #tpu.memory_space<vmem>>, vector<1x1x256xi32>,
    %reduce_sum3A_1379 = vector.shape_cast %broadcast_in_dim3A_1363 : vector<1x256xf32> to vector<1x1x256xf32>
    %reduce_sum3A_1380 = arith.constant dense<0.000000e+00> : vector<1xf32>
    %reduce_sum3A_1381 = vector.multi_reduction <add>, %reduce_sum3A_1379, %reduce_sum3A_1380 [1, 2] : vector<1x1x256xf32> to vector<1xf32>
    %reduce_sum3A_1382 = vector.shape_cast %reduce_sum3A_1381 : vector<1xf32> to vector<1x1x1xf32>
    %reduce_sum3A_1383 = vector.extract %reduce_sum3A_1382[0, 0, 0] : f32 from vector<1x1x1xf32>
    %add3A_1384 = arith.addf %add3A_925, %reduce_sum3A_1383 : f32
    %slice3A_1385 = vector.extract_strided_slice %mul3A_8 {offsets = [0, 768], sizes = [32, 256], strides = [1, 1]} : vector<32x1024xf32> to vector<32x256xf32>
    %slice3A_1386 = vector.extract_strided_slice %broadcast_in_dim3A {offsets = [0, 768], sizes = [1, 256], strides = [1, 1]} : vector<1x1024xf32> to vector<1x256xf32>
    %broadcast_in_dim3A_1387 = arith.constant 0x7F800000 : f32
    %broadcast_in_dim3A_1388 = vector.broadcast %broadcast_in_dim3A_1387 : f32 to vector<128x256xf32>
    %broadcast_in_dim3A_1389 = arith.constant 0 : i32
    %broadcast_in_dim3A_1390 = vector.broadcast %broadcast_in_dim3A_1389 : i32 to vector<128x256xi32>
    %get3A_1391 = arith.constant 0 : index
    %get3A_1392 = arith.constant 0 : index
    %get3A_1393 = vector.load %arg2[%get3A_1391, %get3A_1392] : memref<8192x32xf32, #tpu.memory_space<vmem>>, vector<2048x32xf32>
    %slice3A_1394 = vector.extract_strided_slice %broadcast_in_dim3A_18 {offsets = [0, 0], sizes = [2048, 1], strides = [1, 1]} : vector<8192x1xf32> to vector<2048x1xf32>
    %dot_general3A_1395 = arith.constant dense<0.000000e+00> : vector<2048x256xf32>
    %dot_general3A_1396 = tpu.matmul %get3A_1393, %slice3A_1385, %dot_general3A_1395 {dimension_numbers = #tpu.dot_dimension_numbers<[1], [0], [0], [1], [0, 0, 1, 1], [], []>, transpose_lhs_hint = false} : vector<2048x32xf32>, vector<32x256xf32>, vector<2048x256xf32> -> vector<2048x256xf32>
    %add3A_1397 = vector.broadcast %slice3A_1386 : vector<1x256xf32> to vector<2048x256xf32>
    %add3A_1398 = vector.broadcast %slice3A_1394 : vector<2048x1xf32> to vector<2048x256xf32>
    %add3A_1399 = arith.addf %add3A_1397, %add3A_1398 : vector<2048x256xf32>
    %add3A_1400 = arith.addf %add3A_1399, %dot_general3A_1396 : vector<2048x256xf32>
    %slice3A_1401 = vector.extract_strided_slice %add3A_1400 {offsets = [0, 0], sizes = [128, 256], strides = [1, 1]} : vector<2048x256xf32> to vector<128x256xf32>
    %lt3A_1402 = arith.cmpf olt, %slice3A_1401, %broadcast_in_dim3A_1388 : vector<128x256xf32>
    %min3A_1403 = arith.minimumf %slice3A_1401, %broadcast_in_dim3A_1388 : vector<128x256xf32>
    %jit3A_1404 = arith.constant 0 : i32
    %broadcast_in_dim3A_1405 = vector.broadcast %jit3A_1404 : i32 to vector<128x256xi32>
    %select_n3A_1406 = arith.select %lt3A_1402, %broadcast_in_dim3A_1405, %broadcast_in_dim3A_1390 : vector<128x256xi1>, vector<128x256xi32>
    %slice3A_1407 = vector.extract_strided_slice %add3A_1400 {offsets = [128, 0], sizes = [128, 256], strides = [1, 1]} : vector<2048x256xf32> to vector<128x256xf32>
    %lt3A_1408 = arith.cmpf olt, %slice3A_1407, %min3A_1403 : vector<128x256xf32>
    %min3A_1409 = arith.minimumf %slice3A_1407, %min3A_1403 : vector<128x256xf32>
    %jit3A_1410 = arith.constant 1 : i32
    %broadcast_in_dim3A_1411 = vector.broadcast %jit3A_1410 : i32 to vector<128x256xi32>
    %select_n3A_1412 = arith.select %lt3A_1408, %broadcast_in_dim3A_1411, %select_n3A_1406 : vector<128x256xi1>, vector<128x256xi32>
    %slice3A_1413 = vector.extract_strided_slice %add3A_1400 {offsets = [256, 0], sizes = [128, 256], strides = [1, 1]} : vector<2048x256xf32> to vector<128x256xf32>
    %lt3A_1414 = arith.cmpf olt, %slice3A_1413, %min3A_1409 : vector<128x256xf32>
    %min3A_1415 = arith.minimumf %slice3A_1413, %min3A_1409 : vector<128x256xf32>
    %jit3A_1416 = arith.constant 2 : i32
    %broadcast_in_dim3A_1417 = vector.broadcast %jit3A_1416 : i32 to vector<128x256xi32>
    %select_n3A_1418 = arith.select %lt3A_1414, %broadcast_in_dim3A_1417, %select_n3A_1412 : vector<128x256xi1>, vector<128x256xi32>
    %slice3A_1419 = vector.extract_strided_slice %add3A_1400 {offsets = [384, 0], sizes = [128, 256], strides = [1, 1]} : vector<2048x256xf32> to vector<128x256xf32>
    %lt3A_1420 = arith.cmpf olt, %slice3A_1419, %min3A_1415 : vector<128x256xf32>
    %min3A_1421 = arith.minimumf %slice3A_1419, %min3A_1415 : vector<128x256xf32>
    %jit3A_1422 = arith.constant 3 : i32
    %broadcast_in_dim3A_1423 = vector.broadcast %jit3A_1422 : i32 to vector<128x256xi32>
    %select_n3A_1424 = arith.select %lt3A_1420, %broadcast_in_dim3A_1423, %select_n3A_1418 : vector<128x256xi1>, vector<128x256xi32>
    %slice3A_1425 = vector.extract_strided_slice %add3A_1400 {offsets = [512, 0], sizes = [128, 256], strides = [1, 1]} : vector<2048x256xf32> to vector<128x256xf32>
    %lt3A_1426 = arith.cmpf olt, %slice3A_1425, %min3A_1421 : vector<128x256xf32>
    %min3A_1427 = arith.minimumf %slice3A_1425, %min3A_1421 : vector<128x256xf32>
    %jit3A_1428 = arith.constant 4 : i32
    %broadcast_in_dim3A_1429 = vector.broadcast %jit3A_1428 : i32 to vector<128x256xi32>
    %select_n3A_1430 = arith.select %lt3A_1426, %broadcast_in_dim3A_1429, %select_n3A_1424 : vector<128x256xi1>, vector<128x256xi32>
    %slice3A_1431 = vector.extract_strided_slice %add3A_1400 {offsets = [640, 0], sizes = [128, 256], strides = [1, 1]} : vector<2048x256xf32> to vector<128x256xf32>
    %lt3A_1432 = arith.cmpf olt, %slice3A_1431, %min3A_1427 : vector<128x256xf32>
    %min3A_1433 = arith.minimumf %slice3A_1431, %min3A_1427 : vector<128x256xf32>
    %jit3A_1434 = arith.constant 5 : i32
    %broadcast_in_dim3A_1435 = vector.broadcast %jit3A_1434 : i32 to vector<128x256xi32>
    %select_n3A_1436 = arith.select %lt3A_1432, %broadcast_in_dim3A_1435, %select_n3A_1430 : vector<128x256xi1>, vector<128x256xi32>
    %slice3A_1437 = vector.extract_strided_slice %add3A_1400 {offsets = [768, 0], sizes = [128, 256], strides = [1, 1]} : vector<2048x256xf32> to vector<128x256xf32>
    %lt3A_1438 = arith.cmpf olt, %slice3A_1437, %min3A_1433 : vector<128x256xf32>
    %min3A_1439 = arith.minimumf %slice3A_1437, %min3A_1433 : vector<128x256xf32>
    %jit3A_1440 = arith.constant 6 : i32
    %broadcast_in_dim3A_1441 = vector.broadcast %jit3A_1440 : i32 to vector<128x256xi32>
    %select_n3A_1442 = arith.select %lt3A_1438, %broadcast_in_dim3A_1441, %select_n3A_1436 : vector<128x256xi1>, vector<128x256xi32>
    %slice3A_1443 = vector.extract_strided_slice %add3A_1400 {offsets = [896, 0], sizes = [128, 256], strides = [1, 1]} : vector<2048x256xf32> to vector<128x256xf32>
    %lt3A_1444 = arith.cmpf olt, %slice3A_1443, %min3A_1439 : vector<128x256xf32>
    %min3A_1445 = arith.minimumf %slice3A_1443, %min3A_1439 : vector<128x256xf32>
    %jit3A_1446 = arith.constant 7 : i32
    %broadcast_in_dim3A_1447 = vector.broadcast %jit3A_1446 : i32 to vector<128x256xi32>
    %select_n3A_1448 = arith.select %lt3A_1444, %broadcast_in_dim3A_1447, %select_n3A_1442 : vector<128x256xi1>, vector<128x256xi32>
    %slice3A_1449 = vector.extract_strided_slice %add3A_1400 {offsets = [1024, 0], sizes = [128, 256], strides = [1, 1]} : vector<2048x256xf32> to vector<128x256xf32>
    %lt3A_1450 = arith.cmpf olt, %slice3A_1449, %min3A_1445 : vector<128x256xf32>
    %min3A_1451 = arith.minimumf %slice3A_1449, %min3A_1445 : vector<128x256xf32>
    %jit3A_1452 = arith.constant 8 : i32
    %broadcast_in_dim3A_1453 = vector.broadcast %jit3A_1452 : i32 to vector<128x256xi32>
    %select_n3A_1454 = arith.select %lt3A_1450, %broadcast_in_dim3A_1453, %select_n3A_1448 : vector<128x256xi1>, vector<128x256xi32>
    %slice3A_1455 = vector.extract_strided_slice %add3A_1400 {offsets = [1152, 0], sizes = [128, 256], strides = [1, 1]} : vector<2048x256xf32> to vector<128x256xf32>
    %lt3A_1456 = arith.cmpf olt, %slice3A_1455, %min3A_1451 : vector<128x256xf32>
    %min3A_1457 = arith.minimumf %slice3A_1455, %min3A_1451 : vector<128x256xf32>
    %jit3A_1458 = arith.constant 9 : i32
    %broadcast_in_dim3A_1459 = vector.broadcast %jit3A_1458 : i32 to vector<128x256xi32>
    %select_n3A_1460 = arith.select %lt3A_1456, %broadcast_in_dim3A_1459, %select_n3A_1454 : vector<128x256xi1>, vector<128x256xi32>
    %slice3A_1461 = vector.extract_strided_slice %add3A_1400 {offsets = [1280, 0], sizes = [128, 256], strides = [1, 1]} : vector<2048x256xf32> to vector<128x256xf32>
    %lt3A_1462 = arith.cmpf olt, %slice3A_1461, %min3A_1457 : vector<128x256xf32>
    %min3A_1463 = arith.minimumf %slice3A_1461, %min3A_1457 : vector<128x256xf32>
    %jit3A_1464 = arith.constant 10 : i32
    %broadcast_in_dim3A_1465 = vector.broadcast %jit3A_1464 : i32 to vector<128x256xi32>
    %select_n3A_1466 = arith.select %lt3A_1462, %broadcast_in_dim3A_1465, %select_n3A_1460 : vector<128x256xi1>, vector<128x256xi32>
    %slice3A_1467 = vector.extract_strided_slice %add3A_1400 {offsets = [1408, 0], sizes = [128, 256], strides = [1, 1]} : vector<2048x256xf32> to vector<128x256xf32>
    %lt3A_1468 = arith.cmpf olt, %slice3A_1467, %min3A_1463 : vector<128x256xf32>
    %min3A_1469 = arith.minimumf %slice3A_1467, %min3A_1463 : vector<128x256xf32>
    %jit3A_1470 = arith.constant 11 : i32
    %broadcast_in_dim3A_1471 = vector.broadcast %jit3A_1470 : i32 to vector<128x256xi32>
    %select_n3A_1472 = arith.select %lt3A_1468, %broadcast_in_dim3A_1471, %select_n3A_1466 : vector<128x256xi1>, vector<128x256xi32>
    %slice3A_1473 = vector.extract_strided_slice %add3A_1400 {offsets = [1536, 0], sizes = [128, 256], strides = [1, 1]} : vector<2048x256xf32> to vector<128x256xf32>
    %lt3A_1474 = arith.cmpf olt, %slice3A_1473, %min3A_1469 : vector<128x256xf32>
    %min3A_1475 = arith.minimumf %slice3A_1473, %min3A_1469 : vector<128x256xf32>
    %jit3A_1476 = arith.constant 12 : i32
    %broadcast_in_dim3A_1477 = vector.broadcast %jit3A_1476 : i32 to vector<128x256xi32>
    %select_n3A_1478 = arith.select %lt3A_1474, %broadcast_in_dim3A_1477, %select_n3A_1472 : vector<128x256xi1>, vector<128x256xi32>
    %slice3A_1479 = vector.extract_strided_slice %add3A_1400 {offsets = [1664, 0], sizes = [128, 256], strides = [1, 1]} : vector<2048x256xf32> to vector<128x256xf32>
    %lt3A_1480 = arith.cmpf olt, %slice3A_1479, %min3A_1475 : vector<128x256xf32>
    %min3A_1481 = arith.minimumf %slice3A_1479, %min3A_1475 : vector<128x256xf32>
    %jit3A_1482 = arith.constant 13 : i32
    %broadcast_in_dim3A_1483 = vector.broadcast %jit3A_1482 : i32 to vector<128x256xi32>
    %select_n3A_1484 = arith.select %lt3A_1480, %broadcast_in_dim3A_1483, %select_n3A_1478 : vector<128x256xi1>, vector<128x256xi32>
    %slice3A_1485 = vector.extract_strided_slice %add3A_1400 {offsets = [1792, 0], sizes = [128, 256], strides = [1, 1]} : vector<2048x256xf32> to vector<128x256xf32>
    %lt3A_1486 = arith.cmpf olt, %slice3A_1485, %min3A_1481 : vector<128x256xf32>
    %min3A_1487 = arith.minimumf %slice3A_1485, %min3A_1481 : vector<128x256xf32>
    %jit3A_1488 = arith.constant 14 : i32
    %broadcast_in_dim3A_1489 = vector.broadcast %jit3A_1488 : i32 to vector<128x256xi32>
    %select_n3A_1490 = arith.select %lt3A_1486, %broadcast_in_dim3A_1489, %select_n3A_1484 : vector<128x256xi1>, vector<128x256xi32>
    %slice3A_1491 = vector.extract_strided_slice %add3A_1400 {offsets = [1920, 0], sizes = [128, 256], strides = [1, 1]} : vector<2048x256xf32> to vector<128x256xf32>
    %lt3A_1492 = arith.cmpf olt, %slice3A_1491, %min3A_1487 : vector<128x256xf32>
    %min3A_1493 = arith.minimumf %slice3A_1491, %min3A_1487 : vector<128x256xf32>
    %jit3A_1494 = arith.constant 15 : i32
    %broadcast_in_dim3A_1495 = vector.broadcast %jit3A_1494 : i32 to vector<128x256xi32>
    %select_n3A_1496 = arith.select %lt3A_1492, %broadcast_in_dim3A_1495, %select_n3A_1490 : vector<128x256xi1>, vector<128x256xi32>
    %get3A_1497 = arith.constant 2048 : index
    %get3A_1498 = arith.constant 0 : index
    %get3A_1499 = vector.load %arg2[%get3A_1497, %get3A_1498] : memref<8192x32xf32, #tpu.memory_space<vmem>>, vector<2048x32xf32>
    %slice3A_1500 = vector.extract_strided_slice %broadcast_in_dim3A_18 {offsets = [2048, 0], sizes = [2048, 1], strides = [1, 1]} : vector<8192x1xf32> to vector<2048x1xf32>
    %dot_general3A_1501 = arith.constant dense<0.000000e+00> : vector<2048x256xf32>
    %dot_general3A_1502 = tpu.matmul %get3A_1499, %slice3A_1385, %dot_general3A_1501 {dimension_numbers = #tpu.dot_dimension_numbers<[1], [0], [0], [1], [0, 0, 1, 1], [], []>, transpose_lhs_hint = false} : vector<2048x32xf32>, vector<32x256xf32>, vector<2048x256xf32> -> vector<2048x256xf32>
    %add3A_1503 = vector.broadcast %slice3A_1386 : vector<1x256xf32> to vector<2048x256xf32>
    %add3A_1504 = vector.broadcast %slice3A_1500 : vector<2048x1xf32> to vector<2048x256xf32>
    %add3A_1505 = arith.addf %add3A_1503, %add3A_1504 : vector<2048x256xf32>
    %add3A_1506 = arith.addf %add3A_1505, %dot_general3A_1502 : vector<2048x256xf32>
    %slice3A_1507 = vector.extract_strided_slice %add3A_1506 {offsets = [0, 0], sizes = [128, 256], strides = [1, 1]} : vector<2048x256xf32> to vector<128x256xf32>
    %lt3A_1508 = arith.cmpf olt, %slice3A_1507, %min3A_1493 : vector<128x256xf32>
    %min3A_1509 = arith.minimumf %slice3A_1507, %min3A_1493 : vector<128x256xf32>
    %jit3A_1510 = arith.constant 16 : i32
    %broadcast_in_dim3A_1511 = vector.broadcast %jit3A_1510 : i32 to vector<128x256xi32>
    %select_n3A_1512 = arith.select %lt3A_1508, %broadcast_in_dim3A_1511, %select_n3A_1496 : vector<128x256xi1>, vector<128x256xi32>
    %slice3A_1513 = vector.extract_strided_slice %add3A_1506 {offsets = [128, 0], sizes = [128, 256], strides = [1, 1]} : vector<2048x256xf32> to vector<128x256xf32>
    %lt3A_1514 = arith.cmpf olt, %slice3A_1513, %min3A_1509 : vector<128x256xf32>
    %min3A_1515 = arith.minimumf %slice3A_1513, %min3A_1509 : vector<128x256xf32>
    %jit3A_1516 = arith.constant 17 : i32
    %broadcast_in_dim3A_1517 = vector.broadcast %jit3A_1516 : i32 to vector<128x256xi32>
    %select_n3A_1518 = arith.select %lt3A_1514, %broadcast_in_dim3A_1517, %select_n3A_1512 : vector<128x256xi1>, vector<128x256xi32>
    %slice3A_1519 = vector.extract_strided_slice %add3A_1506 {offsets = [256, 0], sizes = [128, 256], strides = [1, 1]} : vector<2048x256xf32> to vector<128x256xf32>
    %lt3A_1520 = arith.cmpf olt, %slice3A_1519, %min3A_1515 : vector<128x256xf32>
    %min3A_1521 = arith.minimumf %slice3A_1519, %min3A_1515 : vector<128x256xf32>
    %jit3A_1522 = arith.constant 18 : i32
    %broadcast_in_dim3A_1523 = vector.broadcast %jit3A_1522 : i32 to vector<128x256xi32>
    %select_n3A_1524 = arith.select %lt3A_1520, %broadcast_in_dim3A_1523, %select_n3A_1518 : vector<128x256xi1>, vector<128x256xi32>
    %slice3A_1525 = vector.extract_strided_slice %add3A_1506 {offsets = [384, 0], sizes = [128, 256], strides = [1, 1]} : vector<2048x256xf32> to vector<128x256xf32>
    %lt3A_1526 = arith.cmpf olt, %slice3A_1525, %min3A_1521 : vector<128x256xf32>
    %min3A_1527 = arith.minimumf %slice3A_1525, %min3A_1521 : vector<128x256xf32>
    %jit3A_1528 = arith.constant 19 : i32
    %broadcast_in_dim3A_1529 = vector.broadcast %jit3A_1528 : i32 to vector<128x256xi32>
    %select_n3A_1530 = arith.select %lt3A_1526, %broadcast_in_dim3A_1529, %select_n3A_1524 : vector<128x256xi1>, vector<128x256xi32>
    %slice3A_1531 = vector.extract_strided_slice %add3A_1506 {offsets = [512, 0], sizes = [128, 256], strides = [1, 1]} : vector<2048x256xf32> to vector<128x256xf32>
    %lt3A_1532 = arith.cmpf olt, %slice3A_1531, %min3A_1527 : vector<128x256xf32>
    %min3A_1533 = arith.minimumf %slice3A_1531, %min3A_1527 : vector<128x256xf32>
    %jit3A_1534 = arith.constant 20 : i32
    %broadcast_in_dim3A_1535 = vector.broadcast %jit3A_1534 : i32 to vector<128x256xi32>
    %select_n3A_1536 = arith.select %lt3A_1532, %broadcast_in_dim3A_1535, %select_n3A_1530 : vector<128x256xi1>, vector<128x256xi32>
    %slice3A_1537 = vector.extract_strided_slice %add3A_1506 {offsets = [640, 0], sizes = [128, 256], strides = [1, 1]} : vector<2048x256xf32> to vector<128x256xf32>
    %lt3A_1538 = arith.cmpf olt, %slice3A_1537, %min3A_1533 : vector<128x256xf32>
    %min3A_1539 = arith.minimumf %slice3A_1537, %min3A_1533 : vector<128x256xf32>
    %jit3A_1540 = arith.constant 21 : i32
    %broadcast_in_dim3A_1541 = vector.broadcast %jit3A_1540 : i32 to vector<128x256xi32>
    %select_n3A_1542 = arith.select %lt3A_1538, %broadcast_in_dim3A_1541, %select_n3A_1536 : vector<128x256xi1>, vector<128x256xi32>
    %slice3A_1543 = vector.extract_strided_slice %add3A_1506 {offsets = [768, 0], sizes = [128, 256], strides = [1, 1]} : vector<2048x256xf32> to vector<128x256xf32>
    %lt3A_1544 = arith.cmpf olt, %slice3A_1543, %min3A_1539 : vector<128x256xf32>
    %min3A_1545 = arith.minimumf %slice3A_1543, %min3A_1539 : vector<128x256xf32>
    %jit3A_1546 = arith.constant 22 : i32
    %broadcast_in_dim3A_1547 = vector.broadcast %jit3A_1546 : i32 to vector<128x256xi32>
    %select_n3A_1548 = arith.select %lt3A_1544, %broadcast_in_dim3A_1547, %select_n3A_1542 : vector<128x256xi1>, vector<128x256xi32>
    %slice3A_1549 = vector.extract_strided_slice %add3A_1506 {offsets = [896, 0], sizes = [128, 256], strides = [1, 1]} : vector<2048x256xf32> to vector<128x256xf32>
    %lt3A_1550 = arith.cmpf olt, %slice3A_1549, %min3A_1545 : vector<128x256xf32>
    %min3A_1551 = arith.minimumf %slice3A_1549, %min3A_1545 : vector<128x256xf32>
    %jit3A_1552 = arith.constant 23 : i32
    %broadcast_in_dim3A_1553 = vector.broadcast %jit3A_1552 : i32 to vector<128x256xi32>
    %select_n3A_1554 = arith.select %lt3A_1550, %broadcast_in_dim3A_1553, %select_n3A_1548 : vector<128x256xi1>, vector<128x256xi32>
    %slice3A_1555 = vector.extract_strided_slice %add3A_1506 {offsets = [1024, 0], sizes = [128, 256], strides = [1, 1]} : vector<2048x256xf32> to vector<128x256xf32>
    %lt3A_1556 = arith.cmpf olt, %slice3A_1555, %min3A_1551 : vector<128x256xf32>
    %min3A_1557 = arith.minimumf %slice3A_1555, %min3A_1551 : vector<128x256xf32>
    %jit3A_1558 = arith.constant 24 : i32
    %broadcast_in_dim3A_1559 = vector.broadcast %jit3A_1558 : i32 to vector<128x256xi32>
    %select_n3A_1560 = arith.select %lt3A_1556, %broadcast_in_dim3A_1559, %select_n3A_1554 : vector<128x256xi1>, vector<128x256xi32>
    %slice3A_1561 = vector.extract_strided_slice %add3A_1506 {offsets = [1152, 0], sizes = [128, 256], strides = [1, 1]} : vector<2048x256xf32> to vector<128x256xf32>
    %lt3A_1562 = arith.cmpf olt, %slice3A_1561, %min3A_1557 : vector<128x256xf32>
    %min3A_1563 = arith.minimumf %slice3A_1561, %min3A_1557 : vector<128x256xf32>
    %jit3A_1564 = arith.constant 25 : i32
    %broadcast_in_dim3A_1565 = vector.broadcast %jit3A_1564 : i32 to vector<128x256xi32>
    %select_n3A_1566 = arith.select %lt3A_1562, %broadcast_in_dim3A_1565, %select_n3A_1560 : vector<128x256xi1>, vector<128x256xi32>
    %slice3A_1567 = vector.extract_strided_slice %add3A_1506 {offsets = [1280, 0], sizes = [128, 256], strides = [1, 1]} : vector<2048x256xf32> to vector<128x256xf32>
    %lt3A_1568 = arith.cmpf olt, %slice3A_1567, %min3A_1563 : vector<128x256xf32>
    %min3A_1569 = arith.minimumf %slice3A_1567, %min3A_1563 : vector<128x256xf32>
    %jit3A_1570 = arith.constant 26 : i32
    %broadcast_in_dim3A_1571 = vector.broadcast %jit3A_1570 : i32 to vector<128x256xi32>
    %select_n3A_1572 = arith.select %lt3A_1568, %broadcast_in_dim3A_1571, %select_n3A_1566 : vector<128x256xi1>, vector<128x256xi32>
    %slice3A_1573 = vector.extract_strided_slice %add3A_1506 {offsets = [1408, 0], sizes = [128, 256], strides = [1, 1]} : vector<2048x256xf32> to vector<128x256xf32>
    %lt3A_1574 = arith.cmpf olt, %slice3A_1573, %min3A_1569 : vector<128x256xf32>
    %min3A_1575 = arith.minimumf %slice3A_1573, %min3A_1569 : vector<128x256xf32>
    %jit3A_1576 = arith.constant 27 : i32
    %broadcast_in_dim3A_1577 = vector.broadcast %jit3A_1576 : i32 to vector<128x256xi32>
    %select_n3A_1578 = arith.select %lt3A_1574, %broadcast_in_dim3A_1577, %select_n3A_1572 : vector<128x256xi1>, vector<128x256xi32>
    %slice3A_1579 = vector.extract_strided_slice %add3A_1506 {offsets = [1536, 0], sizes = [128, 256], strides = [1, 1]} : vector<2048x256xf32> to vector<128x256xf32>
    %lt3A_1580 = arith.cmpf olt, %slice3A_1579, %min3A_1575 : vector<128x256xf32>
    %min3A_1581 = arith.minimumf %slice3A_1579, %min3A_1575 : vector<128x256xf32>
    %jit3A_1582 = arith.constant 28 : i32
    %broadcast_in_dim3A_1583 = vector.broadcast %jit3A_1582 : i32 to vector<128x256xi32>
    %select_n3A_1584 = arith.select %lt3A_1580, %broadcast_in_dim3A_1583, %select_n3A_1578 : vector<128x256xi1>, vector<128x256xi32>
    %slice3A_1585 = vector.extract_strided_slice %add3A_1506 {offsets = [1664, 0], sizes = [128, 256], strides = [1, 1]} : vector<2048x256xf32> to vector<128x256xf32>
    %lt3A_1586 = arith.cmpf olt, %slice3A_1585, %min3A_1581 : vector<128x256xf32>
    %min3A_1587 = arith.minimumf %slice3A_1585, %min3A_1581 : vector<128x256xf32>
    %jit3A_1588 = arith.constant 29 : i32
    %broadcast_in_dim3A_1589 = vector.broadcast %jit3A_1588 : i32 to vector<128x256xi32>
    %select_n3A_1590 = arith.select %lt3A_1586, %broadcast_in_dim3A_1589, %select_n3A_1584 : vector<128x256xi1>, vector<128x256xi32>
    %slice3A_1591 = vector.extract_strided_slice %add3A_1506 {offsets = [1792, 0], sizes = [128, 256], strides = [1, 1]} : vector<2048x256xf32> to vector<128x256xf32>
    %lt3A_1592 = arith.cmpf olt, %slice3A_1591, %min3A_1587 : vector<128x256xf32>
    %min3A_1593 = arith.minimumf %slice3A_1591, %min3A_1587 : vector<128x256xf32>
    %jit3A_1594 = arith.constant 30 : i32
    %broadcast_in_dim3A_1595 = vector.broadcast %jit3A_1594 : i32 to vector<128x256xi32>
    %select_n3A_1596 = arith.select %lt3A_1592, %broadcast_in_dim3A_1595, %select_n3A_1590 : vector<128x256xi1>, vector<128x256xi32>
    %slice3A_1597 = vector.extract_strided_slice %add3A_1506 {offsets = [1920, 0], sizes = [128, 256], strides = [1, 1]} : vector<2048x256xf32> to vector<128x256xf32>
    %lt3A_1598 = arith.cmpf olt, %slice3A_1597, %min3A_1593 : vector<128x256xf32>
    %min3A_1599 = arith.minimumf %slice3A_1597, %min3A_1593 : vector<128x256xf32>
    %jit3A_1600 = arith.constant 31 : i32
    %broadcast_in_dim3A_1601 = vector.broadcast %jit3A_1600 : i32 to vector<128x256xi32>
    %select_n3A_1602 = arith.select %lt3A_1598, %broadcast_in_dim3A_1601, %select_n3A_1596 : vector<128x256xi1>, vector<128x256xi32>
    %get3A_1603 = arith.constant 4096 : index
    %get3A_1604 = arith.constant 0 : index
    %get3A_1605 = vector.load %arg2[%get3A_1603, %get3A_1604] : memref<8192x32xf32, #tpu.memory_space<vmem>>, vector<2048x32xf32>
    %slice3A_1606 = vector.extract_strided_slice %broadcast_in_dim3A_18 {offsets = [4096, 0], sizes = [2048, 1], strides = [1, 1]} : vector<8192x1xf32> to vector<2048x1xf32>
    %dot_general3A_1607 = arith.constant dense<0.000000e+00> : vector<2048x256xf32>
    %dot_general3A_1608 = tpu.matmul %get3A_1605, %slice3A_1385, %dot_general3A_1607 {dimension_numbers = #tpu.dot_dimension_numbers<[1], [0], [0], [1], [0, 0, 1, 1], [], []>, transpose_lhs_hint = false} : vector<2048x32xf32>, vector<32x256xf32>, vector<2048x256xf32> -> vector<2048x256xf32>
    %add3A_1609 = vector.broadcast %slice3A_1386 : vector<1x256xf32> to vector<2048x256xf32>
    %add3A_1610 = vector.broadcast %slice3A_1606 : vector<2048x1xf32> to vector<2048x256xf32>
    %add3A_1611 = arith.addf %add3A_1609, %add3A_1610 : vector<2048x256xf32>
    %add3A_1612 = arith.addf %add3A_1611, %dot_general3A_1608 : vector<2048x256xf32>
    %slice3A_1613 = vector.extract_strided_slice %add3A_1612 {offsets = [0, 0], sizes = [128, 256], strides = [1, 1]} : vector<2048x256xf32> to vector<128x256xf32>
    %lt3A_1614 = arith.cmpf olt, %slice3A_1613, %min3A_1599 : vector<128x256xf32>
    %min3A_1615 = arith.minimumf %slice3A_1613, %min3A_1599 : vector<128x256xf32>
    %jit3A_1616 = arith.constant 32 : i32
    %broadcast_in_dim3A_1617 = vector.broadcast %jit3A_1616 : i32 to vector<128x256xi32>
    %select_n3A_1618 = arith.select %lt3A_1614, %broadcast_in_dim3A_1617, %select_n3A_1602 : vector<128x256xi1>, vector<128x256xi32>
    %slice3A_1619 = vector.extract_strided_slice %add3A_1612 {offsets = [128, 0], sizes = [128, 256], strides = [1, 1]} : vector<2048x256xf32> to vector<128x256xf32>
    %lt3A_1620 = arith.cmpf olt, %slice3A_1619, %min3A_1615 : vector<128x256xf32>
    %min3A_1621 = arith.minimumf %slice3A_1619, %min3A_1615 : vector<128x256xf32>
    %jit3A_1622 = arith.constant 33 : i32
    %broadcast_in_dim3A_1623 = vector.broadcast %jit3A_1622 : i32 to vector<128x256xi32>
    %select_n3A_1624 = arith.select %lt3A_1620, %broadcast_in_dim3A_1623, %select_n3A_1618 : vector<128x256xi1>, vector<128x256xi32>
    %slice3A_1625 = vector.extract_strided_slice %add3A_1612 {offsets = [256, 0], sizes = [128, 256], strides = [1, 1]} : vector<2048x256xf32> to vector<128x256xf32>
    %lt3A_1626 = arith.cmpf olt, %slice3A_1625, %min3A_1621 : vector<128x256xf32>
    %min3A_1627 = arith.minimumf %slice3A_1625, %min3A_1621 : vector<128x256xf32>
    %jit3A_1628 = arith.constant 34 : i32
    %broadcast_in_dim3A_1629 = vector.broadcast %jit3A_1628 : i32 to vector<128x256xi32>
    %select_n3A_1630 = arith.select %lt3A_1626, %broadcast_in_dim3A_1629, %select_n3A_1624 : vector<128x256xi1>, vector<128x256xi32>
    %slice3A_1631 = vector.extract_strided_slice %add3A_1612 {offsets = [384, 0], sizes = [128, 256], strides = [1, 1]} : vector<2048x256xf32> to vector<128x256xf32>
    %lt3A_1632 = arith.cmpf olt, %slice3A_1631, %min3A_1627 : vector<128x256xf32>
    %min3A_1633 = arith.minimumf %slice3A_1631, %min3A_1627 : vector<128x256xf32>
    %jit3A_1634 = arith.constant 35 : i32
    %broadcast_in_dim3A_1635 = vector.broadcast %jit3A_1634 : i32 to vector<128x256xi32>
    %select_n3A_1636 = arith.select %lt3A_1632, %broadcast_in_dim3A_1635, %select_n3A_1630 : vector<128x256xi1>, vector<128x256xi32>
    %slice3A_1637 = vector.extract_strided_slice %add3A_1612 {offsets = [512, 0], sizes = [128, 256], strides = [1, 1]} : vector<2048x256xf32> to vector<128x256xf32>
    %lt3A_1638 = arith.cmpf olt, %slice3A_1637, %min3A_1633 : vector<128x256xf32>
    %min3A_1639 = arith.minimumf %slice3A_1637, %min3A_1633 : vector<128x256xf32>
    %jit3A_1640 = arith.constant 36 : i32
    %broadcast_in_dim3A_1641 = vector.broadcast %jit3A_1640 : i32 to vector<128x256xi32>
    %select_n3A_1642 = arith.select %lt3A_1638, %broadcast_in_dim3A_1641, %select_n3A_1636 : vector<128x256xi1>, vector<128x256xi32>
    %slice3A_1643 = vector.extract_strided_slice %add3A_1612 {offsets = [640, 0], sizes = [128, 256], strides = [1, 1]} : vector<2048x256xf32> to vector<128x256xf32>
    %lt3A_1644 = arith.cmpf olt, %slice3A_1643, %min3A_1639 : vector<128x256xf32>
    %min3A_1645 = arith.minimumf %slice3A_1643, %min3A_1639 : vector<128x256xf32>
    %jit3A_1646 = arith.constant 37 : i32
    %broadcast_in_dim3A_1647 = vector.broadcast %jit3A_1646 : i32 to vector<128x256xi32>
    %select_n3A_1648 = arith.select %lt3A_1644, %broadcast_in_dim3A_1647, %select_n3A_1642 : vector<128x256xi1>, vector<128x256xi32>
    %slice3A_1649 = vector.extract_strided_slice %add3A_1612 {offsets = [768, 0], sizes = [128, 256], strides = [1, 1]} : vector<2048x256xf32> to vector<128x256xf32>
    %lt3A_1650 = arith.cmpf olt, %slice3A_1649, %min3A_1645 : vector<128x256xf32>
    %min3A_1651 = arith.minimumf %slice3A_1649, %min3A_1645 : vector<128x256xf32>
    %jit3A_1652 = arith.constant 38 : i32
    %broadcast_in_dim3A_1653 = vector.broadcast %jit3A_1652 : i32 to vector<128x256xi32>
    %select_n3A_1654 = arith.select %lt3A_1650, %broadcast_in_dim3A_1653, %select_n3A_1648 : vector<128x256xi1>, vector<128x256xi32>
    %slice3A_1655 = vector.extract_strided_slice %add3A_1612 {offsets = [896, 0], sizes = [128, 256], strides = [1, 1]} : vector<2048x256xf32> to vector<128x256xf32>
    %lt3A_1656 = arith.cmpf olt, %slice3A_1655, %min3A_1651 : vector<128x256xf32>
    %min3A_1657 = arith.minimumf %slice3A_1655, %min3A_1651 : vector<128x256xf32>
    %jit3A_1658 = arith.constant 39 : i32
    %broadcast_in_dim3A_1659 = vector.broadcast %jit3A_1658 : i32 to vector<128x256xi32>
    %select_n3A_1660 = arith.select %lt3A_1656, %broadcast_in_dim3A_1659, %select_n3A_1654 : vector<128x256xi1>, vector<128x256xi32>
    %slice3A_1661 = vector.extract_strided_slice %add3A_1612 {offsets = [1024, 0], sizes = [128, 256], strides = [1, 1]} : vector<2048x256xf32> to vector<128x256xf32>
    %lt3A_1662 = arith.cmpf olt, %slice3A_1661, %min3A_1657 : vector<128x256xf32>
    %min3A_1663 = arith.minimumf %slice3A_1661, %min3A_1657 : vector<128x256xf32>
    %jit3A_1664 = arith.constant 40 : i32
    %broadcast_in_dim3A_1665 = vector.broadcast %jit3A_1664 : i32 to vector<128x256xi32>
    %select_n3A_1666 = arith.select %lt3A_1662, %broadcast_in_dim3A_1665, %select_n3A_1660 : vector<128x256xi1>, vector<128x256xi32>
    %slice3A_1667 = vector.extract_strided_slice %add3A_1612 {offsets = [1152, 0], sizes = [128, 256], strides = [1, 1]} : vector<2048x256xf32> to vector<128x256xf32>
    %lt3A_1668 = arith.cmpf olt, %slice3A_1667, %min3A_1663 : vector<128x256xf32>
    %min3A_1669 = arith.minimumf %slice3A_1667, %min3A_1663 : vector<128x256xf32>
    %jit3A_1670 = arith.constant 41 : i32
    %broadcast_in_dim3A_1671 = vector.broadcast %jit3A_1670 : i32 to vector<128x256xi32>
    %select_n3A_1672 = arith.select %lt3A_1668, %broadcast_in_dim3A_1671, %select_n3A_1666 : vector<128x256xi1>, vector<128x256xi32>
    %slice3A_1673 = vector.extract_strided_slice %add3A_1612 {offsets = [1280, 0], sizes = [128, 256], strides = [1, 1]} : vector<2048x256xf32> to vector<128x256xf32>
    %lt3A_1674 = arith.cmpf olt, %slice3A_1673, %min3A_1669 : vector<128x256xf32>
    %min3A_1675 = arith.minimumf %slice3A_1673, %min3A_1669 : vector<128x256xf32>
    %jit3A_1676 = arith.constant 42 : i32
    %broadcast_in_dim3A_1677 = vector.broadcast %jit3A_1676 : i32 to vector<128x256xi32>
    %select_n3A_1678 = arith.select %lt3A_1674, %broadcast_in_dim3A_1677, %select_n3A_1672 : vector<128x256xi1>, vector<128x256xi32>
    %slice3A_1679 = vector.extract_strided_slice %add3A_1612 {offsets = [1408, 0], sizes = [128, 256], strides = [1, 1]} : vector<2048x256xf32> to vector<128x256xf32>
    %lt3A_1680 = arith.cmpf olt, %slice3A_1679, %min3A_1675 : vector<128x256xf32>
    %min3A_1681 = arith.minimumf %slice3A_1679, %min3A_1675 : vector<128x256xf32>
    %jit3A_1682 = arith.constant 43 : i32
    %broadcast_in_dim3A_1683 = vector.broadcast %jit3A_1682 : i32 to vector<128x256xi32>
    %select_n3A_1684 = arith.select %lt3A_1680, %broadcast_in_dim3A_1683, %select_n3A_1678 : vector<128x256xi1>, vector<128x256xi32>
    %slice3A_1685 = vector.extract_strided_slice %add3A_1612 {offsets = [1536, 0], sizes = [128, 256], strides = [1, 1]} : vector<2048x256xf32> to vector<128x256xf32>
    %lt3A_1686 = arith.cmpf olt, %slice3A_1685, %min3A_1681 : vector<128x256xf32>
    %min3A_1687 = arith.minimumf %slice3A_1685, %min3A_1681 : vector<128x256xf32>
    %jit3A_1688 = arith.constant 44 : i32
    %broadcast_in_dim3A_1689 = vector.broadcast %jit3A_1688 : i32 to vector<128x256xi32>
    %select_n3A_1690 = arith.select %lt3A_1686, %broadcast_in_dim3A_1689, %select_n3A_1684 : vector<128x256xi1>, vector<128x256xi32>
    %slice3A_1691 = vector.extract_strided_slice %add3A_1612 {offsets = [1664, 0], sizes = [128, 256], strides = [1, 1]} : vector<2048x256xf32> to vector<128x256xf32>
    %lt3A_1692 = arith.cmpf olt, %slice3A_1691, %min3A_1687 : vector<128x256xf32>
    %min3A_1693 = arith.minimumf %slice3A_1691, %min3A_1687 : vector<128x256xf32>
    %jit3A_1694 = arith.constant 45 : i32
    %broadcast_in_dim3A_1695 = vector.broadcast %jit3A_1694 : i32 to vector<128x256xi32>
    %select_n3A_1696 = arith.select %lt3A_1692, %broadcast_in_dim3A_1695, %select_n3A_1690 : vector<128x256xi1>, vector<128x256xi32>
    %slice3A_1697 = vector.extract_strided_slice %add3A_1612 {offsets = [1792, 0], sizes = [128, 256], strides = [1, 1]} : vector<2048x256xf32> to vector<128x256xf32>
    %lt3A_1698 = arith.cmpf olt, %slice3A_1697, %min3A_1693 : vector<128x256xf32>
    %min3A_1699 = arith.minimumf %slice3A_1697, %min3A_1693 : vector<128x256xf32>
    %jit3A_1700 = arith.constant 46 : i32
    %broadcast_in_dim3A_1701 = vector.broadcast %jit3A_1700 : i32 to vector<128x256xi32>
    %select_n3A_1702 = arith.select %lt3A_1698, %broadcast_in_dim3A_1701, %select_n3A_1696 : vector<128x256xi1>, vector<128x256xi32>
    %slice3A_1703 = vector.extract_strided_slice %add3A_1612 {offsets = [1920, 0], sizes = [128, 256], strides = [1, 1]} : vector<2048x256xf32> to vector<128x256xf32>
    %lt3A_1704 = arith.cmpf olt, %slice3A_1703, %min3A_1699 : vector<128x256xf32>
    %min3A_1705 = arith.minimumf %slice3A_1703, %min3A_1699 : vector<128x256xf32>
    %jit3A_1706 = arith.constant 47 : i32
    %broadcast_in_dim3A_1707 = vector.broadcast %jit3A_1706 : i32 to vector<128x256xi32>
    %select_n3A_1708 = arith.select %lt3A_1704, %broadcast_in_dim3A_1707, %select_n3A_1702 : vector<128x256xi1>, vector<128x256xi32>
    %get3A_1709 = arith.constant 6144 : index
    %get3A_1710 = arith.constant 0 : index
    %get3A_1711 = vector.load %arg2[%get3A_1709, %get3A_1710] : memref<8192x32xf32, #tpu.memory_space<vmem>>, vector<2048x32xf32>
    %slice3A_1712 = vector.extract_strided_slice %broadcast_in_dim3A_18 {offsets = [6144, 0], sizes = [2048, 1], strides = [1, 1]} : vector<8192x1xf32> to vector<2048x1xf32>
    %dot_general3A_1713 = arith.constant dense<0.000000e+00> : vector<2048x256xf32>
    %dot_general3A_1714 = tpu.matmul %get3A_1711, %slice3A_1385, %dot_general3A_1713 {dimension_numbers = #tpu.dot_dimension_numbers<[1], [0], [0], [1], [0, 0, 1, 1], [], []>, transpose_lhs_hint = false} : vector<2048x32xf32>, vector<32x256xf32>, vector<2048x256xf32> -> vector<2048x256xf32>
    %add3A_1715 = vector.broadcast %slice3A_1386 : vector<1x256xf32> to vector<2048x256xf32>
    %add3A_1716 = vector.broadcast %slice3A_1712 : vector<2048x1xf32> to vector<2048x256xf32>
    %add3A_1717 = arith.addf %add3A_1715, %add3A_1716 : vector<2048x256xf32>
    %add3A_1718 = arith.addf %add3A_1717, %dot_general3A_1714 : vector<2048x256xf32>
    %slice3A_1719 = vector.extract_strided_slice %add3A_1718 {offsets = [0, 0], sizes = [128, 256], strides = [1, 1]} : vector<2048x256xf32> to vector<128x256xf32>
    %lt3A_1720 = arith.cmpf olt, %slice3A_1719, %min3A_1705 : vector<128x256xf32>
    %min3A_1721 = arith.minimumf %slice3A_1719, %min3A_1705 : vector<128x256xf32>
    %jit3A_1722 = arith.constant 48 : i32
    %broadcast_in_dim3A_1723 = vector.broadcast %jit3A_1722 : i32 to vector<128x256xi32>
    %select_n3A_1724 = arith.select %lt3A_1720, %broadcast_in_dim3A_1723, %select_n3A_1708 : vector<128x256xi1>, vector<128x256xi32>
    %slice3A_1725 = vector.extract_strided_slice %add3A_1718 {offsets = [128, 0], sizes = [128, 256], strides = [1, 1]} : vector<2048x256xf32> to vector<128x256xf32>
    %lt3A_1726 = arith.cmpf olt, %slice3A_1725, %min3A_1721 : vector<128x256xf32>
    %min3A_1727 = arith.minimumf %slice3A_1725, %min3A_1721 : vector<128x256xf32>
    %jit3A_1728 = arith.constant 49 : i32
    %broadcast_in_dim3A_1729 = vector.broadcast %jit3A_1728 : i32 to vector<128x256xi32>
    %select_n3A_1730 = arith.select %lt3A_1726, %broadcast_in_dim3A_1729, %select_n3A_1724 : vector<128x256xi1>, vector<128x256xi32>
    %slice3A_1731 = vector.extract_strided_slice %add3A_1718 {offsets = [256, 0], sizes = [128, 256], strides = [1, 1]} : vector<2048x256xf32> to vector<128x256xf32>
    %lt3A_1732 = arith.cmpf olt, %slice3A_1731, %min3A_1727 : vector<128x256xf32>
    %min3A_1733 = arith.minimumf %slice3A_1731, %min3A_1727 : vector<128x256xf32>
    %jit3A_1734 = arith.constant 50 : i32
    %broadcast_in_dim3A_1735 = vector.broadcast %jit3A_1734 : i32 to vector<128x256xi32>
    %select_n3A_1736 = arith.select %lt3A_1732, %broadcast_in_dim3A_1735, %select_n3A_1730 : vector<128x256xi1>, vector<128x256xi32>
    %slice3A_1737 = vector.extract_strided_slice %add3A_1718 {offsets = [384, 0], sizes = [128, 256], strides = [1, 1]} : vector<2048x256xf32> to vector<128x256xf32>
    %lt3A_1738 = arith.cmpf olt, %slice3A_1737, %min3A_1733 : vector<128x256xf32>
    %min3A_1739 = arith.minimumf %slice3A_1737, %min3A_1733 : vector<128x256xf32>
    %jit3A_1740 = arith.constant 51 : i32
    %broadcast_in_dim3A_1741 = vector.broadcast %jit3A_1740 : i32 to vector<128x256xi32>
    %select_n3A_1742 = arith.select %lt3A_1738, %broadcast_in_dim3A_1741, %select_n3A_1736 : vector<128x256xi1>, vector<128x256xi32>
    %slice3A_1743 = vector.extract_strided_slice %add3A_1718 {offsets = [512, 0], sizes = [128, 256], strides = [1, 1]} : vector<2048x256xf32> to vector<128x256xf32>
    %lt3A_1744 = arith.cmpf olt, %slice3A_1743, %min3A_1739 : vector<128x256xf32>
    %min3A_1745 = arith.minimumf %slice3A_1743, %min3A_1739 : vector<128x256xf32>
    %jit3A_1746 = arith.constant 52 : i32
    %broadcast_in_dim3A_1747 = vector.broadcast %jit3A_1746 : i32 to vector<128x256xi32>
    %select_n3A_1748 = arith.select %lt3A_1744, %broadcast_in_dim3A_1747, %select_n3A_1742 : vector<128x256xi1>, vector<128x256xi32>
    %slice3A_1749 = vector.extract_strided_slice %add3A_1718 {offsets = [640, 0], sizes = [128, 256], strides = [1, 1]} : vector<2048x256xf32> to vector<128x256xf32>
    %lt3A_1750 = arith.cmpf olt, %slice3A_1749, %min3A_1745 : vector<128x256xf32>
    %min3A_1751 = arith.minimumf %slice3A_1749, %min3A_1745 : vector<128x256xf32>
    %jit3A_1752 = arith.constant 53 : i32
    %broadcast_in_dim3A_1753 = vector.broadcast %jit3A_1752 : i32 to vector<128x256xi32>
    %select_n3A_1754 = arith.select %lt3A_1750, %broadcast_in_dim3A_1753, %select_n3A_1748 : vector<128x256xi1>, vector<128x256xi32>
    %slice3A_1755 = vector.extract_strided_slice %add3A_1718 {offsets = [768, 0], sizes = [128, 256], strides = [1, 1]} : vector<2048x256xf32> to vector<128x256xf32>
    %lt3A_1756 = arith.cmpf olt, %slice3A_1755, %min3A_1751 : vector<128x256xf32>
    %min3A_1757 = arith.minimumf %slice3A_1755, %min3A_1751 : vector<128x256xf32>
    %jit3A_1758 = arith.constant 54 : i32
    %broadcast_in_dim3A_1759 = vector.broadcast %jit3A_1758 : i32 to vector<128x256xi32>
    %select_n3A_1760 = arith.select %lt3A_1756, %broadcast_in_dim3A_1759, %select_n3A_1754 : vector<128x256xi1>, vector<128x256xi32>
    %slice3A_1761 = vector.extract_strided_slice %add3A_1718 {offsets = [896, 0], sizes = [128, 256], strides = [1, 1]} : vector<2048x256xf32> to vector<128x256xf32>
    %lt3A_1762 = arith.cmpf olt, %slice3A_1761, %min3A_1757 : vector<128x256xf32>
    %min3A_1763 = arith.minimumf %slice3A_1761, %min3A_1757 : vector<128x256xf32>
    %jit3A_1764 = arith.constant 55 : i32
    %broadcast_in_dim3A_1765 = vector.broadcast %jit3A_1764 : i32 to vector<128x256xi32>
    %select_n3A_1766 = arith.select %lt3A_1762, %broadcast_in_dim3A_1765, %select_n3A_1760 : vector<128x256xi1>, vector<128x256xi32>
    %slice3A_1767 = vector.extract_strided_slice %add3A_1718 {offsets = [1024, 0], sizes = [128, 256], strides = [1, 1]} : vector<2048x256xf32> to vector<128x256xf32>
    %lt3A_1768 = arith.cmpf olt, %slice3A_1767, %min3A_1763 : vector<128x256xf32>
    %min3A_1769 = arith.minimumf %slice3A_1767, %min3A_1763 : vector<128x256xf32>
    %jit3A_1770 = arith.constant 56 : i32
    %broadcast_in_dim3A_1771 = vector.broadcast %jit3A_1770 : i32 to vector<128x256xi32>
    %select_n3A_1772 = arith.select %lt3A_1768, %broadcast_in_dim3A_1771, %select_n3A_1766 : vector<128x256xi1>, vector<128x256xi32>
    %slice3A_1773 = vector.extract_strided_slice %add3A_1718 {offsets = [1152, 0], sizes = [128, 256], strides = [1, 1]} : vector<2048x256xf32> to vector<128x256xf32>
    %lt3A_1774 = arith.cmpf olt, %slice3A_1773, %min3A_1769 : vector<128x256xf32>
    %min3A_1775 = arith.minimumf %slice3A_1773, %min3A_1769 : vector<128x256xf32>
    %jit3A_1776 = arith.constant 57 : i32
    %broadcast_in_dim3A_1777 = vector.broadcast %jit3A_1776 : i32 to vector<128x256xi32>
    %select_n3A_1778 = arith.select %lt3A_1774, %broadcast_in_dim3A_1777, %select_n3A_1772 : vector<128x256xi1>, vector<128x256xi32>
    %slice3A_1779 = vector.extract_strided_slice %add3A_1718 {offsets = [1280, 0], sizes = [128, 256], strides = [1, 1]} : vector<2048x256xf32> to vector<128x256xf32>
    %lt3A_1780 = arith.cmpf olt, %slice3A_1779, %min3A_1775 : vector<128x256xf32>
    %min3A_1781 = arith.minimumf %slice3A_1779, %min3A_1775 : vector<128x256xf32>
    %jit3A_1782 = arith.constant 58 : i32
    %broadcast_in_dim3A_1783 = vector.broadcast %jit3A_1782 : i32 to vector<128x256xi32>
    %select_n3A_1784 = arith.select %lt3A_1780, %broadcast_in_dim3A_1783, %select_n3A_1778 : vector<128x256xi1>, vector<128x256xi32>
    %slice3A_1785 = vector.extract_strided_slice %add3A_1718 {offsets = [1408, 0], sizes = [128, 256], strides = [1, 1]} : vector<2048x256xf32> to vector<128x256xf32>
    %lt3A_1786 = arith.cmpf olt, %slice3A_1785, %min3A_1781 : vector<128x256xf32>
    %min3A_1787 = arith.minimumf %slice3A_1785, %min3A_1781 : vector<128x256xf32>
    %jit3A_1788 = arith.constant 59 : i32
    %broadcast_in_dim3A_1789 = vector.broadcast %jit3A_1788 : i32 to vector<128x256xi32>
    %select_n3A_1790 = arith.select %lt3A_1786, %broadcast_in_dim3A_1789, %select_n3A_1784 : vector<128x256xi1>, vector<128x256xi32>
    %slice3A_1791 = vector.extract_strided_slice %add3A_1718 {offsets = [1536, 0], sizes = [128, 256], strides = [1, 1]} : vector<2048x256xf32> to vector<128x256xf32>
    %lt3A_1792 = arith.cmpf olt, %slice3A_1791, %min3A_1787 : vector<128x256xf32>
    %min3A_1793 = arith.minimumf %slice3A_1791, %min3A_1787 : vector<128x256xf32>
    %jit3A_1794 = arith.constant 60 : i32
    %broadcast_in_dim3A_1795 = vector.broadcast %jit3A_1794 : i32 to vector<128x256xi32>
    %select_n3A_1796 = arith.select %lt3A_1792, %broadcast_in_dim3A_1795, %select_n3A_1790 : vector<128x256xi1>, vector<128x256xi32>
    %slice3A_1797 = vector.extract_strided_slice %add3A_1718 {offsets = [1664, 0], sizes = [128, 256], strides = [1, 1]} : vector<2048x256xf32> to vector<128x256xf32>
    %lt3A_1798 = arith.cmpf olt, %slice3A_1797, %min3A_1793 : vector<128x256xf32>
    %min3A_1799 = arith.minimumf %slice3A_1797, %min3A_1793 : vector<128x256xf32>
    %jit3A_1800 = arith.constant 61 : i32
    %broadcast_in_dim3A_1801 = vector.broadcast %jit3A_1800 : i32 to vector<128x256xi32>
    %select_n3A_1802 = arith.select %lt3A_1798, %broadcast_in_dim3A_1801, %select_n3A_1796 : vector<128x256xi1>, vector<128x256xi32>
    %slice3A_1803 = vector.extract_strided_slice %add3A_1718 {offsets = [1792, 0], sizes = [128, 256], strides = [1, 1]} : vector<2048x256xf32> to vector<128x256xf32>
    %lt3A_1804 = arith.cmpf olt, %slice3A_1803, %min3A_1799 : vector<128x256xf32>
    %min3A_1805 = arith.minimumf %slice3A_1803, %min3A_1799 : vector<128x256xf32>
    %jit3A_1806 = arith.constant 62 : i32
    %broadcast_in_dim3A_1807 = vector.broadcast %jit3A_1806 : i32 to vector<128x256xi32>
    %select_n3A_1808 = arith.select %lt3A_1804, %broadcast_in_dim3A_1807, %select_n3A_1802 : vector<128x256xi1>, vector<128x256xi32>
    %slice3A_1809 = vector.extract_strided_slice %add3A_1718 {offsets = [1920, 0], sizes = [128, 256], strides = [1, 1]} : vector<2048x256xf32> to vector<128x256xf32>
    %lt3A_1810 = arith.cmpf olt, %slice3A_1809, %min3A_1805 : vector<128x256xf32>
    %min3A_1811 = arith.minimumf %slice3A_1809, %min3A_1805 : vector<128x256xf32>
    %jit3A_1812 = arith.constant 63 : i32
    %broadcast_in_dim3A_1813 = vector.broadcast %jit3A_1812 : i32 to vector<128x256xi32>
    %select_n3A_1814 = arith.select %lt3A_1810, %broadcast_in_dim3A_1813, %select_n3A_1808 : vector<128x256xi1>, vector<128x256xi32>
    %mul3A_1815 = arith.constant 128 : i32
    %mul3A_1816 = vector.broadcast %mul3A_1815 : i32 to vector<128x256xi32>
    %mul3A_1817 = arith.muli %select_n3A_1814, %mul3A_1816 : vector<128x256xi32>
    %iota3A_1818 = tpu.iota {dimensions = array<i32: 0>} : vector<128x256xi32>
    %add3A_1819 = arith.addi %mul3A_1817, %iota3A_1818 : vector<128x256xi32>
    %reduce_min3A_1820 = arith.constant dense<0x7F800000> : vector<256xf32>
    %reduce_min3A_1821 = vector.multi_reduction <minimumf>, %min3A_1811, %reduce_min3A_1820 [0] : vector<128x256xf32> to vector<256xf32>
    %broadcast_in_dim3A_1822 = vector.shape_cast %reduce_min3A_1821 : vector<256xf32> to vector<1x256xf32>
    %eq3A_1823 = vector.broadcast %broadcast_in_dim3A_1822 : vector<1x256xf32> to vector<128x256xf32>
    %eq3A_1824 = arith.cmpf oeq, %min3A_1811, %eq3A_1823 : vector<128x256xf32>
    %jit3A_1825 = arith.constant 8192 : i32
    %broadcast_in_dim3A_1826 = vector.broadcast %jit3A_1825 : i32 to vector<128x256xi32>
    %select_n3A_1827 = arith.select %eq3A_1824, %add3A_1819, %broadcast_in_dim3A_1826 : vector<128x256xi1>, vector<128x256xi32>
    %reduce_min3A_1828 = arith.constant dense<2147483647> : vector<256xi32>
    %reduce_min3A_1829 = vector.multi_reduction <minsi>, %select_n3A_1827, %reduce_min3A_1828 [0] : vector<128x256xi32> to vector<256xi32>
    %broadcast_in_dim3A_1830 = vector.shape_cast %reduce_min3A_1829 : vector<256xi32> to vector<1x256xi32>
    %squeeze3A_1831 = vector.shape_cast %broadcast_in_dim3A_1830 : vector<1x256xi32> to vector<256xi32>
    %swap3A_1832 = arith.constant 0 : index
    %swap3A_1833 = arith.constant 0 : index
    %swap3A_1834 = arith.constant 768 : index
    %swap3A_1835 = vector.load %arg3[%swap3A_1832, %swap3A_1833, %swap3A_1834] : memref<1x1x1024xi32, #tpu.memory_space<vmem>>, vector<1x1x256xi32>
    %swap3A_1836 = vector.shape_cast %swap3A_1835 : vector<1x1x256xi32> to vector<256xi32>
    %swap3A_1837 = vector.shape_cast %squeeze3A_1831 : vector<256xi32> to vector<1x1x256xi32>
    tpu.vector_store %arg3[%swap3A_1832, %swap3A_1833, %swap3A_1834], %swap3A_1837 {strides = array<i32>} : memref<1x1x1024xi32, #tpu.memory_space<vmem>>, vector<1x1x256xi32>,
    %reduce_sum3A_1838 = vector.shape_cast %broadcast_in_dim3A_1822 : vector<1x256xf32> to vector<1x1x256xf32>
    %reduce_sum3A_1839 = arith.constant dense<0.000000e+00> : vector<1xf32>
    %reduce_sum3A_1840 = vector.multi_reduction <add>, %reduce_sum3A_1838, %reduce_sum3A_1839 [1, 2] : vector<1x1x256xf32> to vector<1xf32>
    %reduce_sum3A_1841 = vector.shape_cast %reduce_sum3A_1840 : vector<1xf32> to vector<1x1x1xf32>
    %reduce_sum3A_1842 = vector.extract %reduce_sum3A_1841[0, 0, 0] : f32 from vector<1x1x1xf32>
    %add3A_1843 = arith.addf %add3A_1384, %reduce_sum3A_1842 : f32
    %eq3A_1844 = arith.constant 0 : i32
    %eq3A_1845 = arith.cmpi eq, %arg0, %eq3A_1844 : i32
    %convert_element_type3A = arith.extui %eq3A_1845 : i1 to i32
    %cond3A = arith.constant 0 : i32
    %cond3A_1846 = arith.cmpi ne, %convert_element_type3A, %cond3A : i32
    scf.if %cond3A_1846 {
      %swap3A_1856 = arith.constant 0 : index
      %swap3A_1857 = arith.constant 0 : index
      %swap3A_1858 = memref.load %arg4[%swap3A_1856, %swap3A_1857] : memref<1x1xf32, #tpu.memory_space<smem>>
      memref.store %add3A_1843, %arg4[%swap3A_1856, %swap3A_1857] : memref<1x1xf32, #tpu.memory_space<smem>>
    } else {
    }
    %gt3A = arith.constant 0 : i32
    %gt3A_1847 = arith.cmpi sgt, %arg0, %gt3A : i32
    %convert_element_type3A_1848 = arith.extui %gt3A_1847 : i1 to i32
    %cond3A_1849 = arith.constant 0 : i32
    %cond3A_1850 = arith.cmpi ne, %convert_element_type3A_1848, %cond3A_1849 : i32
    scf.if %cond3A_1850 {
      %get3A_1856 = arith.constant 0 : index
      %get3A_1857 = arith.constant 0 : index
      %get3A_1858 = memref.load %arg4[%get3A_1856, %get3A_1857] : memref<1x1xf32, #tpu.memory_space<smem>>
      %add3A_1859 = arith.addf %get3A_1858, %add3A_1843 : f32
      %swap3A_1860 = arith.constant 0 : index
      %swap3A_1861 = arith.constant 0 : index
      %swap3A_1862 = memref.load %arg4[%swap3A_1860, %swap3A_1861] : memref<1x1xf32, #tpu.memory_space<smem>>
      memref.store %add3A_1859, %arg4[%swap3A_1860, %swap3A_1861] : memref<1x1xf32, #tpu.memory_space<smem>>
    } else {
    }
    %eq3A_1851 = arith.constant 3 : i32
    %eq3A_1852 = arith.cmpi eq, %arg0, %eq3A_1851 : i32
    %convert_element_type3A_1853 = arith.extui %eq3A_1852 : i1 to i32
    %cond3A_1854 = arith.constant 0 : i32
    %cond3A_1855 = arith.cmpi ne, %convert_element_type3A_1853, %cond3A_1854 : i32
    scf.if %cond3A_1855 {
      %get3A_1856 = arith.constant 0 : index
      %get3A_1857 = arith.constant 0 : index
      %get3A_1858 = memref.load %arg4[%get3A_1856, %get3A_1857] : memref<1x1xf32, #tpu.memory_space<smem>>
      %mul3A_1859 = arith.constant 9.53674316E-6 : f32
      %mul3A_1860 = arith.mulf %get3A_1858, %mul3A_1859 : f32
      %swap3A_1861 = arith.constant 0 : index
      %swap3A_1862 = arith.constant 0 : index
      %swap3A_1863 = memref.load %arg4[%swap3A_1861, %swap3A_1862] : memref<1x1xf32, #tpu.memory_space<smem>>
      memref.store %mul3A_1860, %arg4[%swap3A_1861, %swap3A_1862] : memref<1x1xf32, #tpu.memory_space<smem>>
    } else {
    }
    return
  }
  func.func @transform_0(%arg0: i32) -> (i32, i32, i32, i32) {
    %c0_i32 = arith.constant 0 : i32
    %c0_i32_0 = arith.constant 0 : i32
    %c0_i32_1 = arith.constant 0 : i32
    %c0_i32_2 = arith.constant 0 : i32
    return %arg0, %c0_i32, %c0_i32_0, %c0_i32_1 : i32, i32, i32, i32
  }
  func.func @transform_1(%arg0: i32) -> (i32, i32) {
    %c0_i32 = arith.constant 0 : i32
    %c0_i32_0 = arith.constant 0 : i32
    %c0_i32_1 = arith.constant 0 : i32
    return %c0_i32, %c0_i32_0 : i32, i32
  }
  func.func @transform_2(%arg0: i32) -> (i32, i32, i32) {
    %c0_i32 = arith.constant 0 : i32
    %c0_i32_0 = arith.constant 0 : i32
    %c0_i32_1 = arith.constant 0 : i32
    return %arg0, %c0_i32, %c0_i32_0 : i32, i32, i32
  }
  func.func @transform_3(%arg0: i32) -> (i32, i32) {
    %c0_i32 = arith.constant 0 : i32
    %c0_i32_0 = arith.constant 0 : i32
    %c0_i32_1 = arith.constant 0 : i32
    return %c0_i32, %c0_i32_0 : i32, i32
  }
}

</mosaic_0001>

<sc_bundles>
// kernel: kernel.4.cloned.1.call-start
scs
__scs_entry_jumppad:
0x0: {  	(pc) =	sbr.rel $0x88, $3  }
0x1: {  	(tag) =	ssettag $0x0;
	lr =	simm.s32 $0x1  }
0x2: {  	[smem:$0x3F9F] =	sst lr;
	_ =	strace $0xD0000000  }
0x3: {  	_ = 	snop  }
0x4: {  	_ = 	snop  }
0x5: {  	_ = 	snop  }
0x6: {  	_ = 	snop  }
0x7: {  	_ = 	snop  }
__scs_overlays_trampoline_lowered:
0x8: {  	[smem:$0x3FAE] =	sst s0  }
0x9: {  	[smem:$0x3FAF] =	sst s1  }
0xa: {  	[smem:$0x3FB0] =	sst s2  }
0xb: {  	[smem:$0x3FB1] =	sst s3  }
0xc: {  	[smem:$0x3FB2] =	sst s4  }
0xd: {  	[smem:$0x3FB3] =	sst s5  }
0xe: {  	[smem:$0x3FB4] =	sst s6  }
0xf: {  	[smem:$0x3FB5] =	sst s7  }
0x10: {  	[smem:$0x3FB6] =	sst s8  }
0x11: {  	[smem:$0x3FB7] =	sst s9;
	s0 =	simm.s32 @!p0 $0x0  }
0x12: {  	s1 =	sld [smem:$0x3F9D];
	s0 =	simm.s32 @p0 $0x1  }
0x13: {  	[smem:$0x3FB8] =	sst s0;
	s0 =	simm.s32 @!p1 $0x0  }
0x14: {  	s2 =	sld [smem:$0x3F9C];
	s0 =	simm.s32 @p1 $0x1  }
0x15: {  	[smem:$0x3FB9] =	sst s0;
	s0 =	simm.s32 @!p2 $0x0  }
0x16: {  	s3 =	sld [smem:$0x3FDB];
	s0 =	simm.s32 @p2 $0x1  }
0x17: {  	s4 =	simm.s32 $0x1BF5;
	[smem:$0x3FBB] =	sst s0  }
0x18: {  	s0 =	sld [smem:$0x3F9E];
	_ =	swait.ge [sflag:s4], $0x0  }
0x19: {  	s7 =	sld [smem:$0x3F9F]  }
0x1a: {  	s8 =	sadd.s32 $0xFFFFE003, lr  }
0x1b: {  	s9 =	sadd.s32 $0xFFFFFEF7, lr;
	s5 =	simm.s32 $0xFFFFFFFF;
	p2 =	slt.u32 s8, $0xFFFFF086  }
0x1c: {  	p1 =	slt.u32 s9, $0xF7A;
	s5 =	simm.s32 @!p2 $0x0  }
0x1d: {  	s5 =	simm.s32 @p1 $0x1;
	p0 =	seq.s32 s7, s2  }
0x1e: {  	s7 =	smul.u32 @!p0 $0xF7A, s2;
	p2 =	seq.s32 @!p0 s5, $0x0  }
0x1f: {  	s9 =	smul.u32 $0xF7A, s1;
	s8 =	simm.s32 @!p0 $0x1BF5;
	p2 =	por !p2, p0  }
0x20: {  	[sflag:s8] =	ssyncset.s32 @!p0 $0xFFFFF086;
	s6 =	sadd.s32 @!p0 s3, s7;
	s7 =	simm.s32 @!p0 $0x108  }
0x21: {  	s3 =	sadd.s32 s3, s9;
	s6 =	sadd.s32 @!p0 $0x88, s6;
	s7 =	simm.s32 @p2 $0x1082  }
0x22: {  	[simem:s7], [sflag:s8] =	dma.local @!p0 [hbm:s6], $0xF7A  }
0x23: {  	s9 =	sor.u32 $0xD0000000, s2;
	s6 =	simm.s32 $0x108;
	_ =	swait.ge @!p0 [sflag:s8], $0x0  }
0x24: {  	s3 =	sadd.s32 $0x88, s3;
	s6 =	simm.s32 @!p1 $0x1082;
	[sflag:s4] =	ssyncset.s32 $0xFFFFF086  }
0x25: {  	[simem:s6], [sflag:s4] =	dma.local [hbm:s3], $0xF7A  }
0x26: {  	[smem:$0x3F9F] =	sst s1;
	(tag) =	ssettag s2;
	_ =	strace s9  }
0x27: {  	s1 =	sld [smem:$0x3FAF]  }
0x28: {  	s2 =	sld [smem:$0x3FB0]  }
0x29: {  	s4 =	sld [smem:$0x3FB2]  }
0x2a: {  	p0 =	seq.s32 s5, $0x0;
	s5 =	sld [smem:$0x3FB3]  }
0x2b: {  	s6 =	sld [smem:$0x3FB4]  }
0x2c: {  	s7 =	sld [smem:$0x3FB5]  }
0x2d: {  	s3 =	simm.s32 $0x108;
	s8 =	sld [smem:$0x3FB6]  }
0x2e: {  	s3 =	simm.s32 @!p0 $0x1082;
	s9 =	sld [smem:$0x3FB7]  }
0x2f: {  	lr =	sadd.s32 s0, s3;
	s0 =	sld [smem:$0x3FAE]  }
0x30: {  	s3 =	sld [smem:$0x3FB1]  }
0x31: {  	[smem:$0x3FBA] =	sst s10  }
0x32: {  	s10 =	sld [smem:$0x3FB8];
	_ =	sdelay $0x3  }
0x33: {  	p0 =	seq.s32 s10, $0x1;
	s10 =	sld [smem:$0x3FBA];
	_ =	sdelay $0x3  }
0x34: {  	[smem:$0x3FBA] =	sst s10  }
0x35: {  	s10 =	sld [smem:$0x3FB9];
	_ =	sdelay $0x3  }
0x36: {  	p1 =	seq.s32 s10, $0x1;
	s10 =	sld [smem:$0x3FBA];
	_ =	sdelay $0x3  }
0x37: {  	[smem:$0x3FBA] =	sst s10  }
0x38: {  	s10 =	sld [smem:$0x3FBB]  }
0x39: {  	_ = 	snop;
	(pc) =	sbr.ind lr, $3  }
0x3a: {  	_ = 	snop  }
0x3b: {  	_ = 	snop  }
0x3c: {  	p2 =	seq.s32 s10, $0x1;
	s10 =	sld [smem:$0x3FBA]  }
0x3d: {  	_ =	shalt  }
0x3e: {  	_ =	shalt  }
0x3f: {  	_ =	shalt  }
0x40: {  	_ =	shalt  }
0x41: {  	_ =	shalt  }
0x42: {  	_ =	shalt  }
0x43: {  	_ =	shalt  }
0x44: {  	_ =	shalt  }
0x45: {  	_ =	shalt  }
0x46: {  	_ =	shalt  }
0x47: {  	_ =	shalt  }
0x48: {  	_ =	shalt  }
0x49: {  	_ =	shalt  }
0x4a: {  	_ =	shalt  }
0x4b: {  	_ =	shalt  }
0x4c: {  	_ =	shalt  }
0x4d: {  	_ =	shalt  }
0x4e: {  	_ =	shalt  }
0x4f: {  	_ =	shalt  }
0x50: {  	_ =	shalt  }
0x51: {  	_ =	shalt  }
0x52: {  	_ =	shalt  }
0x53: {  	_ =	shalt  }
0x54: {  	_ =	shalt  }
0x55: {  	_ =	shalt  }
0x56: {  	_ =	shalt  }
0x57: {  	_ =	shalt  }
0x58: {  	_ =	shalt  }
0x59: {  	_ =	shalt  }
0x5a: {  	_ =	shalt  }
0x5b: {  	_ =	shalt  }
0x5c: {  	_ =	shalt  }
0x5d: {  	_ =	shalt  }
0x5e: {  	_ =	shalt  }
0x5f: {  	_ =	shalt  }
0x60: {  	_ =	shalt  }
0x61: {  	_ =	shalt  }
0x62: {  	_ =	shalt  }
0x63: {  	_ =	shalt  }
0x64: {  	_ =	shalt  }
0x65: {  	_ =	shalt  }
0x66: {  	_ =	shalt  }
0x67: {  	_ =	shalt  }
0x68: {  	_ =	shalt  }
0x69: {  	_ =	shalt  }
0x6a: {  	_ =	shalt  }
0x6b: {  	_ =	shalt  }
0x6c: {  	_ =	shalt  }
0x6d: {  	_ =	shalt  }
0x6e: {  	_ =	shalt  }
0x6f: {  	_ =	shalt  }
0x70: {  	_ =	shalt  }
0x71: {  	_ =	shalt  }
0x72: {  	_ =	shalt  }
0x73: {  	_ =	shalt  }
0x74: {  	_ =	shalt  }
0x75: {  	_ =	shalt  }
0x76: {  	_ =	shalt  }
0x77: {  	_ =	shalt  }
0x78: {  	_ =	shalt  }
0x79: {  	_ =	shalt  }
0x7a: {  	_ =	shalt  }
0x7b: {  	_ =	shalt  }
0x7c: {  	_ =	shalt  }
0x7d: {  	_ =	shalt  }
0x7e: {  	_ =	shalt  }
0x7f: {  	_ =	shalt  }
0x80: {  	_ =	shalt  }
0x81: {  	_ =	shalt  }
0x82: {  	_ =	shalt  }
0x83: {  	_ =	shalt  }
0x84: {  	_ =	shalt  }
0x85: {  	_ =	shalt  }
0x86: {  	_ =	shalt  }
0x87: {  	_ =	shalt  }
.Lfunc_end0:
.L_simem_size_0:
called_computation_lowered:
.L_overlay_start_0:
0x88: {  	s2 =	sld [smem:$0x3FD9]  }
0x89: {  	s3 =	sld [smem:$0x3FFE];
	_ =	sdelay $0x1  }
0x8a: {  	s1 =	srdreg.scid  }
0x8b: {  	s0 =	sand.u32 $0x1, s1  }
0x8c: {  	s14 =	sshll.u32 s0, $0xA;
	s2 =	sadd.s32 s3, s2  }
0x8d: {  	s2 =	sadd.s32 s2, s14  }
0x8e: {  	[smem:$0x3FC6] =	sst s2  }
0x8f: {  	_ = 	snop  }
0x90: {  	s2 =	sld [smem:$0x3FD0];
	_ =	sdelay $0x2  }
0x91: {  	s15 =	simm.s32 $0xA;
	s4 =	simm.s32 $0x10  }
0x92: {  	[smem:s4], [sflag:s15] =	dma.local [hbm:s2], $0x1  }
0x93: {  	_ =	swait.eq [sflag:s15], $0x1  }
0x94: {  	[sflag:s15] =	ssyncset.done $0x0  }
0x95: {  	[sflag:s15] =	ssyncadd.s32 $0xFFFFFFFF  }
0x96: {  	s16 =	sld [smem:$0x10];
	(tm) =	ssettm $0x1  }
0x97: {  	s17 =	sld [smem:$0x3FFB];
	_ =	sdelay $0x3  }
0x98: {  	_ =	strace s17  }
0x99: {  	s3 =	sld [smem:$0x3FFC];
	_ =	sdelay $0x3  }
0x9a: {  	_ =	strace s3  }
0x9b: {  	s3 =	sld [smem:$0x3FFD];
	_ =	sdelay $0x3  }
0x9c: {  	_ =	strace s3  }
0x9d: {  	_ =	strace $0x8FFFFFFF  }
0x9e: {  	s18 =	sld [smem:$0x3FDB];
	_ =	sdelay $0x1  }
0x9f: {  	s19 =	simm.s32 $_scs_section_size  }
0xa0: {  	s5 =	simm.s32 $_size__tile_overlayer_lowered;
	s6 =	simm.s32 $_tile_overlayer_lowered  }
0xa1: {  	s22 =	simm.s32 $0x1BFF;
	s21 =	sshll.u32 s6, $0x1;
	s3 =	sadd.s32 s19, s18  }
0xa2: {  	s7 =	simm.s32 $0x0;
	s20 =	sshll.u32 s5, $0x1;
	s5 =	sadd.s32 s21, s3  }
0xa3: {  	[timem:s7], [sflag:s22] =	dma.local [hbm:s5], s20  }
0xa4: {  	_ =	swait.ge [sflag:s22], s20  }
0xa5: {  	s4 =	ssub.s32 $0x0, s20;
	[sflag:s22] =	ssyncset.done $0x0  }
0xa6: {  	[sflag:s22] =	ssyncadd.s32 s4;
	_ =	sdelay $0x1  }
0xa7: {  	s23 =	simm.s32 $0x1B8B  }
0xa8: {  	_ =	swait.ge [sflag:s23], $0x1  }
0xa9: {  	[sflag:s23] =	ssyncset.done $0x0  }
0xaa: {  	s25 =	simm.s32 $0x1B8E;
	s24 =	sld [smem:$0x3FFE];
	[sflag:s23] =	ssyncadd.s32 $0xFFFFFFFF  }
0xab: {  	s26 =	simm.s32 $execute0_lowered;
	[smem:$0x3FD2] =	sst s25  }
0xac: {  	s5 =	sshll.u32 s26, $0x1;
	_ =	strace $0x80000046;
	[dreg:$0x1] =	wrdreg $0xFFFFFFFF  }
0xad: {  	s28 =	simm.s32 $_size_execute0_lowered;
	s3 =	sadd.s32 s3, s5;
	[dreg:$0x0] =	wrdreg $0x0  }
0xae: {  	s5 =	sshll.u32 s28, $0x1;
	[dreg:$0x2] =	wrdreg s3  }
0xaf: {  	[dreg:$0x3] =	wrdreg s5  }
0xb0: {  	[dreg:$0x4] =	wrdreg $0xC0  }
0xb1: {  	_ =	task [dreg:s7], $0x5FFFF  }
0xb2: {  	[dreg:$0x1] =	wrdreg $0xFFFFFFFF  }
0xb3: {  	[dreg:$0x0] =	wrdreg $0x60  }
0xb4: {  	[dreg:$0x2] =	wrdreg s16  }
0xb5: {  	[dreg:$0x3] =	wrdreg s24  }
0xb6: {  	[dreg:$0x4] =	wrdreg $0x9  }
0xb7: {  	_ =	task.clear_ibuf [dreg:s7], $0x5FFFF;
	_ =	strace $0x90000046  }
0xb8: {  	s29 =	simm.s32 $0x9;
	_ =	strace $0x80000048  }
0xb9: {  	_ =	swait.ge [sflag:s29], $0x1  }
0xba: {  	[sflag:s29] =	ssyncadd.s32 $0xFFFFFFFF  }
0xbb: {  	_ =	strace $0x90000048  }
0xbc: {  	_ =	sfence  }
0xbd: {  	s30 =	sld [smem:$0x0];
	_ =	sdelay $0x2  }
0xbe: {  	s31 =	sshll.u32 s1, $0xD;
	s1 =	sshrl.u32 s1, $0x2  }
0xbf: {  	s3 =	sand.u32 $0x4000, s31;
	s1 =	sadd.s32 s1, s30  }
0xc0: {  	s0 =	sor.u32 s3, s0;
	s1 =	sshll.u32 s1, $0x11  }
0xc1: {  	s0 =	sor.u32 s1, s0  }
0xc2: {  	s0 =	sadd.s32 $0x8F2B, s0  }
0xc3: {  	[sflag:s0] =	ssyncadd.remote.s32 $0x1  }
0xc4: {  	_ =	sfence.sel $0xFFFF  }
0xc5: {  	[dreg:$0x0] =	wrdreg $0xFFFFFFFF;
	(pc) =	sbr.abs _section_cstart, $3  }
0xc6: {  	[dreg:$0x1] =	wrdreg $0xFFFFFFFF  }
0xc7: {  	_ =	task.clear_ibuf [dreg:s7], $0x2FFFF;
	_ =	strace $0x9FFFFFFF  }
0xc8: {  	(tm) =	ssettm $0x7FFFFFFF  }
0xc9: {  	_ =	shalt  }
tec
execute0_lowered:
.L_overlay_start_1:
0x0: {  	(tag) =	ssettag $0x1  }
0x1: {  	s1 =	srdreg.scid  }
0x2: {  	s0 =	stileid.u32;
	s6 =	sand.u32 $0x1, s1  }
0x3: {  	s2 =	rddreg [dreg:$0x0];
	s30 =	sshll.u32 s0, $0x8;
	s3 =	sshll.u32 s6, $0x7  }
0x4: {  	s8 =	rddreg [dreg:$0x1];
	s7 =	simm.s32 $0x1;
	s9 =	sor.u32 s3, s30  }
0x5: {  	s1 =	rddreg [dreg:$0x2];
	s3 =	simm.s32 $0x0;
	s4 =	sshrl.u32 s9, $0x3  }
0x6: {  	s10 =	ssub.s32 $0x2, s6;
	[smem:$0x7FF] =	sst s3;
	s4 =	sadd.s32 s4, s8  }
0x7: {  	_ =	strace $0x80000047;
	s5 =	sadd.s32 $0x800, s4;
	s4 =	simm.s32 $0x2  }
0x8: {  	[tilespmem:s3], [sflag:$0x2] =	stream.linear.gather [hbm4b:s5+s3], $0x80, $0x38;
	[tilespmem:$0x1080] =	vst v63  }
0x9: {  	s6 =	simm.s32 $0x80;
	s11 =	sshrl.u32 s10, $0x1;
	_ =	swait.ge [sflag:s4], $0x80  }
0xa: {  	s9 =	sshll.u32 s9, $0x2;
	s31 =	ssub.s32 s10, s11;
	[sflag:s4] =	ssyncset.done $0x0  }
0xb: {  	s8 =	sadd.s32 s9, s8;
	s9 =	smax.u32 s31, $0x1;
	[sflag:s4] =	ssyncadd.s32 $0xFFFFFF80  }
0xc: {  	[tilespmem:s6], [sflag:$0x1] =	stream.indirect.gather [hbm4b:s2+s6], $0x20, s3, s6, $0xb8;
	[tilespmem:$0x1080] =	vst v63  }
0xd: {  	p0 =	sne.s32 s9, $0x1;
	_ =	swait.ge [sflag:s7], $0x1000  }
.Ltmp0:
0xe: {  	[sflag:s7] =	ssyncset.done $0x0;
	(pc) =	sbr.rel @!p0 .LBB2_2-.Ltmp0, $4  }
0xf: {  	s8 =	sadd.s32 $0xA00, s8;
	[sflag:s7] =	ssyncadd.s32 $0xFFFFF000  }
0x10: {  	[hbm4b:s8+s3] =	stream.linear.scatter [tilespmem:s6], [sflag:$0x2], $0x1000, $0x38;
	[tilespmem:$0x1080] =	vst v63  }
0x11: {  	_ =	swait.ge [sflag:s4], $0x1000  }
0x12: {  	s9 =	sadd.s32 $0xFFFFFFFF, s9;
	[sflag:s4] =	ssyncset.done $0x0  }
.LBB2_1:
0x13: {  	p0 =	sne.s32 s9, $0x1;
	s9 =	sadd.s32 $0xFFFFFFFF, s9;
	[sflag:s4] =	ssyncadd.s32 $0xFFFFF000  }
0x14: {  	[tilespmem:s3], [sflag:$0x2] =	stream.linear.gather [hbm4b:s5+s3], $0x80, $0x38;
	[tilespmem:$0x1080] =	vst v63  }
0x15: {  	_ =	swait.ge [sflag:s4], $0x80  }
0x16: {  	[sflag:s4] =	ssyncset.done $0x0  }
0x17: {  	[sflag:s4] =	ssyncadd.s32 $0xFFFFFF80  }
0x18: {  	[tilespmem:s6], [sflag:$0x1] =	stream.indirect.gather [hbm4b:s2+s6], $0x20, s3, s6, $0xb8;
	[tilespmem:$0x1080] =	vst v63  }
0x19: {  	_ =	swait.ge [sflag:s7], $0x1000  }
.Ltmp1:
0x1a: {  	[sflag:s7] =	ssyncset.done $0x0;
	(pc) =	sbr.rel @p0 .LBB2_1-.Ltmp1, $4  }
0x1b: {  	[sflag:s7] =	ssyncadd.s32 $0xFFFFF000  }
0x1c: {  	[hbm4b:s8+s3] =	stream.linear.scatter [tilespmem:s6], [sflag:$0x2], $0x1000, $0x38;
	[tilespmem:$0x1080] =	vst v63  }
0x1d: {  	_ =	swait.ge [sflag:s4], $0x1000  }
0x1e: {  	[sflag:s4] =	ssyncset.done $0x0  }
.LBB2_2:
0x1f: {  	[sflag:s4] =	ssyncadd.s32 $0xFFFFF000  }
0x20: {  	_ =	sfence.sel $0x180000  }
0x21: {  	[bflag:$0x0] =	sbarrier.arrive $0xFFFF  }
0x22: {  	p0 =	sne.s32 s0, $0x0;
	_ =	strace $0x90000047  }
0x23: {  	s0 =	sadd.s32 @!p0 $0x100000, s1;
	[bflag:$0x2] =	sbarrier.arrive $0xFFFF  }
0x24: {  	[sflag:s0] =	ssyncadd.tile.s32 @!p0 $0x1;
	_ =	shalt  }
.Lfunc_end2:
_tile_overlayer_lowered:
.L_overlay_start_2:
0x25: {  	(tag) =	ssettag $0x2  }
0x26: {  	s0 =	rddreg [dreg:$0x0];
	s2 =	stileid.u32  }
0x27: {  	s1 =	rddreg [dreg:$0x1];
	p0 =	sne.s32 s2, $0x0  }
0x28: {  	s3 =	rddreg [dreg:$0x2];
	[bflag:$0x3] =	sbarrier.arrive $0xFFFF;
	s2 =	simm.s32 @!p0 $0x1C02  }
0x29: {  	[timem:s3], [sflag:s2] =	dma.local @!p0 [hbm:s0], s1  }
0x2a: {  	s0 =	simm.s32 @!p0 $0x2  }
0x2b: {  	_ =	swait.ge @!p0 [sflag:s0], s1  }
0x2c: {  	s1 =	ssub.s32 @!p0 $0x0, s1;
	[sflag:s0] =	ssyncset.done @!p0 $0x0  }
0x2d: {  	[sflag:s0] =	ssyncadd.s32 @!p0 s1  }
0x2e: {  	[bflag:$0x3] =	sbarrier.arrive $0xFFFF  }
0x2f: {  	_ =	shalt  }

</sc_bundles>
